<compile_context>
chip_gen: v7x
topology: tpu7x:2x2x1
jax: 0.10.2.dev20260603
libtpu: 0.0.44.dev20260713+nightly
codegen_flags: <defaults>
</compile_context>

<pallas_src>
import functools

import jax
import jax.numpy as jnp
from jax import lax
from jax.experimental import pallas as pl
from jax.experimental.pallas import tpu as pltpu
from jax.experimental.pallas import tpu_sc as plsc

VOC = 1000000
D = 32
B = 16384
NW = 32
BPW = B // NW
NCH = 4
CH = BPW // NCH


def _sc_pred_kernel():
    mesh = plsc.VectorSubcoreMesh(core_axis_name="c", subcore_axis_name="s")

    @functools.partial(
        pl.kernel,
        mesh=mesh,
        out_type=jax.ShapeDtypeStruct((B,), jnp.float32),
        compiler_params=pltpu.CompilerParams(
            needs_layout_passes=False, use_tc_tiling_on_sc=False),
        scratch_types=[
            pltpu.VMEM((NCH, CH), jnp.int32),
            pltpu.VMEM((NCH, CH), jnp.int32),
            pltpu.VMEM((BPW, D), jnp.float32),
            pltpu.VMEM((BPW, D), jnp.float32),
            pltpu.VMEM((BPW,), jnp.float32),
            pltpu.VMEM((BPW,), jnp.float32),
            pltpu.VMEM((16, 16), jnp.float32),
            pltpu.VMEM((BPW,), jnp.float32),
            pltpu.SemaphoreType.DMA,
        ],
    )
    def k(center_h, outside_h, wc_h, wo_h, bc_h, bo_h, pred_h,
          idxc, idxo, cbuf, obuf, bcv, bov, sbuf, predv, sem):
        wid = lax.axis_index("c") * 16 + lax.axis_index("s")

        pltpu.sync_copy(center_h.at[wid], idxc)
        pltpu.sync_copy(outside_h.at[wid], idxo)

        copies = []
        for ch in range(NCH):
            sl = pl.ds(ch * CH, CH)
            copies.append(pltpu.async_copy(
                wc_h.at[idxc.at[ch]], cbuf.at[sl, :], sem))
            copies.append(pltpu.async_copy(
                wo_h.at[idxo.at[ch]], obuf.at[sl, :], sem))
            copies.append(pltpu.async_copy(
                bc_h.at[idxc.at[ch]], bcv.at[sl], sem))
            copies.append(pltpu.async_copy(
                bo_h.at[idxo.at[ch]], bov.at[sl], sem))
        for c in copies:
            c.wait()

        lanes = lax.iota(jnp.int32, 16)

        def blk(b, _):
            def row(r, _):
                i = b * 16 + r
                a = (cbuf[i, pl.ds(0, 16)] * obuf[i, pl.ds(0, 16)]
                     + cbuf[i, pl.ds(16, 16)] * obuf[i, pl.ds(16, 16)])
                sbuf[r, :] = a
                return 0

            lax.fori_loop(0, 16, row, 0, unroll=True)
            acc = bcv[pl.ds(b * 16, 16)] + bov[pl.ds(b * 16, 16)]

            def col(j, acc):
                cols = jnp.full((16,), 0, jnp.int32) + j
                return acc + plsc.load_gather(sbuf, [lanes, cols])

            acc = lax.fori_loop(0, 16, col, acc, unroll=True)
            predv[pl.ds(b * 16, 16)] = acc
            return 0

        lax.fori_loop(0, BPW // 16, blk, 0)
        pltpu.sync_copy(predv, pred_h.at[pl.ds(wid * BPW, BPW)])

    return k


def _tc_loss_body(pred_ref, coocs_ref, w_ref, out_ref):
    d = pred_ref[...] - jnp.log(coocs_ref[...])
    out_ref[...] = (jnp.sum(w_ref[...] * d * d) * (1.0 / B)).reshape(1, 1)


def kernel(center, outside, coocs, weighting,
           W_center, W_outside, b_center, b_outside):
    center_r = center.reshape(NW, NCH, CH)
    outside_r = outside.reshape(NW, NCH, CH)
    bc = b_center.reshape(VOC)
    bo = b_outside.reshape(VOC)

    pred = _sc_pred_kernel()(center_r, outside_r, W_center, W_outside, bc, bo)

    loss = pl.pallas_call(
        _tc_loss_body,
        out_shape=jax.ShapeDtypeStruct((1, 1), jnp.float32),
    )(pred.reshape(128, 128), coocs.reshape(128, 128),
      weighting.reshape(128, 128))
    return loss.reshape(())

# --- scband reference (transcript-rebuilt; emitter-appended) ---
"""Pipeline reference for scband-glo-ve-16458314678908 (READ-ONLY COPY).

The authoritative reference and input builder live on the scoring server;
editing this copy changes nothing except your own understanding.
"""

import jax, jax.numpy as jnp
import numpy as np

VOC_SIZE = 1000000
EMB_SIZE = 32
BATCH = 16384


def setup_inputs(seed: int = 0) -> dict:
    key = jax.random.key(seed)
    k_c, k_o, k_cc, k_w, k_wc, k_wo, k_bc, k_bo = jax.random.split(key, 8)
    center = jax.random.randint(k_c, (BATCH, 1), 0, VOC_SIZE, dtype=jnp.int64 if jax.config.jax_enable_x64 else jnp.int32).astype(jnp.int32)
    outside = jax.random.randint(k_o, (BATCH, 1), 0, VOC_SIZE).astype(jnp.int32)
    # co-occurrence counts must be positive (log is taken)
    coocs = jax.random.uniform(k_cc, (BATCH,), minval=1.0, maxval=100.0, dtype=jnp.float32)
    weighting = jax.random.uniform(k_w, (BATCH,), minval=0.0, maxval=1.0, dtype=jnp.float32)
    # learned parameters (embedding tables + bias tables), N(0,1) like nn.Embedding default
    W_center = jax.random.normal(k_wc, (VOC_SIZE, EMB_SIZE), dtype=jnp.float32)
    W_outside = jax.random.normal(k_wo, (VOC_SIZE, EMB_SIZE), dtype=jnp.float32)
    b_center = jax.random.normal(k_bc, (VOC_SIZE, 1), dtype=jnp.float32)
    b_outside = jax.random.normal(k_bo, (VOC_SIZE, 1), dtype=jnp.float32)
    return {
        "center": center,
        "outside": outside,
        "coocs": coocs,
        "weighting": weighting,
        "W_center": W_center,
        "W_outside": W_outside,
        "b_center": b_center,
        "b_outside": b_outside,
    }


def reference(center, outside, coocs, weighting, W_center, W_outside, b_center, b_outside):
    # embedding lookups (gather)
    center_embed = jnp.take(W_center, center, axis=0)      # [B, 1, D]
    outside_embed = jnp.take(W_outside, outside, axis=0)   # [B, 1, D]
    center_bias = jnp.squeeze(jnp.take(b_center, center, axis=0))    # [B]
    outside_bias = jnp.squeeze(jnp.take(b_outside, outside, axis=0)) # [B]
    inner_product = jnp.squeeze(jnp.sum(center_embed * outside_embed, axis=2))  # [B]
    prediction = inner_product + center_bias + outside_bias  # [B]
    loss = weighting * jnp.power(prediction - jnp.log(coocs), 2)
    return jnp.mean(loss)

if __name__ == "__main__":
    import jax
    _d = setup_inputs()
    print(jax.jit(kernel)(*tuple(_d.values())))

</pallas_src>

<mosaic_0001>
#map = affine_map<(d0, d1) -> (0, 0, 0)>
#map1 = affine_map<(d0, d1) -> (0, 0)>
#map2 = affine_map<(d0, d1) -> (0)>
module attributes {stable_mosaic.version = 14 : i64} {
  func.func @k(%arg0: i32, %arg1: i32, %arg2: memref<32x4x128xi32, #tpu.memory_space<hbm>>, %arg3: memref<32x4x128xi32, #tpu.memory_space<hbm>>, %arg4: memref<1000000x32xf32, #tpu.memory_space<hbm>>, %arg5: memref<1000000x32xf32, #tpu.memory_space<hbm>>, %arg6: memref<1000000xf32, #tpu.memory_space<hbm>>, %arg7: memref<1000000xf32, #tpu.memory_space<hbm>>, %arg8: memref<16384xf32, #tpu.memory_space<hbm>>, %arg9: memref<4x128xi32, #tpu.memory_space<vmem>>, %arg10: memref<4x128xi32, #tpu.memory_space<vmem>>, %arg11: memref<512x32xf32, #tpu.memory_space<vmem>>, %arg12: memref<512x32xf32, #tpu.memory_space<vmem>>, %arg13: memref<512xf32, #tpu.memory_space<vmem>>, %arg14: memref<512xf32, #tpu.memory_space<vmem>>, %arg15: memref<16x16xf32, #tpu.memory_space<vmem>>, %arg16: memref<512xf32, #tpu.memory_space<vmem>>, %arg17: memref<!tpu.dma_semaphore, #tpu.memory_space<semaphore_mem>>) attributes {dimension_semantics = [#tpu.dimension_semantics<core_parallel>, #tpu.dimension_semantics<subcore_parallel>], iteration_bounds = array<i64: 2, 16>, scalar_prefetch = 0 : i64, scratch_operands = 9 : i64, tpu.core_type = #tpu.core_type<sc_vector_subcore>, window_params = [{transform_indices = #map}, {transform_indices = #map}, {transform_indices = #map1}, {transform_indices = #map1}, {transform_indices = #map2}, {transform_indices = #map2}, {transform_indices = #map2}]} {
    %mul3A = arith.constant 16 : i32
    %mul3A_0 = arith.muli %arg0, %mul3A : i32
    %add3A = arith.addi %mul3A_0, %arg1 : i32
    "tpu.region"() ({
      %run_scoped3A = tpu.sem_alloc : memref<!tpu.dma_semaphore, #tpu.memory_space<semaphore_mem>>
      %dma_start3A_295 = arith.constant 0 : i32
      %dma_start3A_296 = arith.constant 0 : i32
      %dma_start3A_297 = tpu.memref_slice %arg2[%add3A, %dma_start3A_295, %dma_start3A_296] : memref<32x4x128xi32, #tpu.memory_space<hbm>> -> memref<1x4x128xi32, #tpu.memory_space<hbm>>
      %dma_start3A_298 = tpu.memref_squeeze %dma_start3A_297 : memref<1x4x128xi32, #tpu.memory_space<hbm>> -> memref<4x128xi32, #tpu.memory_space<hbm>>
      %dma_start3A_299 = arith.constant 0 : i32
      %dma_start3A_300 = arith.constant 0 : i32
      %dma_start3A_301 = tpu.memref_slice %arg2[%add3A, %dma_start3A_299, %dma_start3A_300] : memref<32x4x128xi32, #tpu.memory_space<hbm>> -> memref<1x4x128xi32, #tpu.memory_space<hbm>>
      %dma_start3A_302 = tpu.memref_squeeze %dma_start3A_301 : memref<1x4x128xi32, #tpu.memory_space<hbm>> -> memref<4x128xi32, #tpu.memory_space<hbm>>
      tpu.enqueue_dma source(%dma_start3A_302 : memref<4x128xi32, #tpu.memory_space<hbm>>) target(%arg9 : memref<4x128xi32, #tpu.memory_space<vmem>>) target_semaphore(%run_scoped3A : memref<!tpu.dma_semaphore, #tpu.memory_space<semaphore_mem>>)
      %dma_wait3A_303 = arith.constant 0 : i32
      %dma_wait3A_304 = arith.constant 0 : i32
      %dma_wait3A_305 = tpu.memref_slice %arg2[%add3A, %dma_wait3A_303, %dma_wait3A_304] : memref<32x4x128xi32, #tpu.memory_space<hbm>> -> memref<1x4x128xi32, #tpu.memory_space<hbm>>
      %dma_wait3A_306 = tpu.memref_squeeze %dma_wait3A_305 : memref<1x4x128xi32, #tpu.memory_space<hbm>> -> memref<4x128xi32, #tpu.memory_space<hbm>>
      %dma_wait3A_307 = arith.constant 0 : i32
      %dma_wait3A_308 = arith.constant 0 : i32
      %dma_wait3A_309 = tpu.memref_slice %arg2[%add3A, %dma_wait3A_307, %dma_wait3A_308] : memref<32x4x128xi32, #tpu.memory_space<hbm>> -> memref<1x4x128xi32, #tpu.memory_space<hbm>>
      %dma_wait3A_310 = tpu.memref_squeeze %dma_wait3A_309 : memref<1x4x128xi32, #tpu.memory_space<hbm>> -> memref<4x128xi32, #tpu.memory_space<hbm>>
      tpu.wait_dma2 semaphore(%run_scoped3A : memref<!tpu.dma_semaphore, #tpu.memory_space<semaphore_mem>>) src(%dma_wait3A_310 : memref<4x128xi32, #tpu.memory_space<hbm>>) dst(%arg9 : memref<4x128xi32, #tpu.memory_space<vmem>>)
      tpu.yield
    }) : () -> ()
    "tpu.region"() ({
      %run_scoped3A = tpu.sem_alloc : memref<!tpu.dma_semaphore, #tpu.memory_space<semaphore_mem>>
      %dma_start3A_295 = arith.constant 0 : i32
      %dma_start3A_296 = arith.constant 0 : i32
      %dma_start3A_297 = tpu.memref_slice %arg3[%add3A, %dma_start3A_295, %dma_start3A_296] : memref<32x4x128xi32, #tpu.memory_space<hbm>> -> memref<1x4x128xi32, #tpu.memory_space<hbm>>
      %dma_start3A_298 = tpu.memref_squeeze %dma_start3A_297 : memref<1x4x128xi32, #tpu.memory_space<hbm>> -> memref<4x128xi32, #tpu.memory_space<hbm>>
      %dma_start3A_299 = arith.constant 0 : i32
      %dma_start3A_300 = arith.constant 0 : i32
      %dma_start3A_301 = tpu.memref_slice %arg3[%add3A, %dma_start3A_299, %dma_start3A_300] : memref<32x4x128xi32, #tpu.memory_space<hbm>> -> memref<1x4x128xi32, #tpu.memory_space<hbm>>
      %dma_start3A_302 = tpu.memref_squeeze %dma_start3A_301 : memref<1x4x128xi32, #tpu.memory_space<hbm>> -> memref<4x128xi32, #tpu.memory_space<hbm>>
      tpu.enqueue_dma source(%dma_start3A_302 : memref<4x128xi32, #tpu.memory_space<hbm>>) target(%arg10 : memref<4x128xi32, #tpu.memory_space<vmem>>) target_semaphore(%run_scoped3A : memref<!tpu.dma_semaphore, #tpu.memory_space<semaphore_mem>>)
      %dma_wait3A_303 = arith.constant 0 : i32
      %dma_wait3A_304 = arith.constant 0 : i32
      %dma_wait3A_305 = tpu.memref_slice %arg3[%add3A, %dma_wait3A_303, %dma_wait3A_304] : memref<32x4x128xi32, #tpu.memory_space<hbm>> -> memref<1x4x128xi32, #tpu.memory_space<hbm>>
      %dma_wait3A_306 = tpu.memref_squeeze %dma_wait3A_305 : memref<1x4x128xi32, #tpu.memory_space<hbm>> -> memref<4x128xi32, #tpu.memory_space<hbm>>
      %dma_wait3A_307 = arith.constant 0 : i32
      %dma_wait3A_308 = arith.constant 0 : i32
      %dma_wait3A_309 = tpu.memref_slice %arg3[%add3A, %dma_wait3A_307, %dma_wait3A_308] : memref<32x4x128xi32, #tpu.memory_space<hbm>> -> memref<1x4x128xi32, #tpu.memory_space<hbm>>
      %dma_wait3A_310 = tpu.memref_squeeze %dma_wait3A_309 : memref<1x4x128xi32, #tpu.memory_space<hbm>> -> memref<4x128xi32, #tpu.memory_space<hbm>>
      tpu.wait_dma2 semaphore(%run_scoped3A : memref<!tpu.dma_semaphore, #tpu.memory_space<semaphore_mem>>) src(%dma_wait3A_310 : memref<4x128xi32, #tpu.memory_space<hbm>>) dst(%arg10 : memref<4x128xi32, #tpu.memory_space<vmem>>)
      tpu.yield
    }) : () -> ()
    %dma_start3A = arith.constant 0 : i32
    %dma_start3A_1 = arith.constant 0 : i32
    %dma_start3A_2 = arith.constant 0 : i32
    %dma_start3A_3 = tpu.memref_slice %arg11[%dma_start3A_1, %dma_start3A_2] : memref<512x32xf32, #tpu.memory_space<vmem>> -> memref<128x32xf32, #tpu.memory_space<vmem>>
    %dma_start3A_4 = arith.constant 0 : i32
    %dma_start3A_5 = tpu.memref_slice %arg9[%dma_start3A, %dma_start3A_4] : memref<4x128xi32, #tpu.memory_space<vmem>> -> memref<1x128xi32, #tpu.memory_space<vmem>>
    %dma_start3A_6 = tpu.memref_squeeze %dma_start3A_5 : memref<1x128xi32, #tpu.memory_space<vmem>> -> memref<128xi32, #tpu.memory_space<vmem>>
    %dma_start3A_7 = arith.constant 0 : i32
    %dma_start3A_8 = arith.constant 0 : i32
    %dma_start3A_9 = tpu.memref_slice %arg4[%dma_start3A_7, %dma_start3A_8] : memref<1000000x32xf32, #tpu.memory_space<hbm>> -> memref<1000000x32xf32, #tpu.memory_space<hbm>>
    tpu.enqueue_indirect_dma source(%dma_start3A_9 : memref<1000000x32xf32, #tpu.memory_space<hbm>>) target(%dma_start3A_3 : memref<128x32xf32, #tpu.memory_space<vmem>>) offsets(%dma_start3A_6 : memref<128xi32, #tpu.memory_space<vmem>>) semaphore(%arg17 : memref<!tpu.dma_semaphore, #tpu.memory_space<semaphore_mem>>)
    %dma_start3A_10 = arith.constant 0 : i32
    %dma_start3A_11 = arith.constant 0 : i32
    %dma_start3A_12 = arith.constant 0 : i32
    %dma_start3A_13 = tpu.memref_slice %arg12[%dma_start3A_11, %dma_start3A_12] : memref<512x32xf32, #tpu.memory_space<vmem>> -> memref<128x32xf32, #tpu.memory_space<vmem>>
    %dma_start3A_14 = arith.constant 0 : i32
    %dma_start3A_15 = tpu.memref_slice %arg10[%dma_start3A_10, %dma_start3A_14] : memref<4x128xi32, #tpu.memory_space<vmem>> -> memref<1x128xi32, #tpu.memory_space<vmem>>
    %dma_start3A_16 = tpu.memref_squeeze %dma_start3A_15 : memref<1x128xi32, #tpu.memory_space<vmem>> -> memref<128xi32, #tpu.memory_space<vmem>>
    %dma_start3A_17 = arith.constant 0 : i32
    %dma_start3A_18 = arith.constant 0 : i32
    %dma_start3A_19 = tpu.memref_slice %arg5[%dma_start3A_17, %dma_start3A_18] : memref<1000000x32xf32, #tpu.memory_space<hbm>> -> memref<1000000x32xf32, #tpu.memory_space<hbm>>
    tpu.enqueue_indirect_dma source(%dma_start3A_19 : memref<1000000x32xf32, #tpu.memory_space<hbm>>) target(%dma_start3A_13 : memref<128x32xf32, #tpu.memory_space<vmem>>) offsets(%dma_start3A_16 : memref<128xi32, #tpu.memory_space<vmem>>) semaphore(%arg17 : memref<!tpu.dma_semaphore, #tpu.memory_space<semaphore_mem>>)
    %dma_start3A_20 = arith.constant 0 : i32
    %dma_start3A_21 = arith.constant 0 : i32
    %dma_start3A_22 = tpu.memref_slice %arg13[%dma_start3A_21] : memref<512xf32, #tpu.memory_space<vmem>> -> memref<128xf32, #tpu.memory_space<vmem>>
    %dma_start3A_23 = arith.constant 0 : i32
    %dma_start3A_24 = tpu.memref_slice %arg9[%dma_start3A_20, %dma_start3A_23] : memref<4x128xi32, #tpu.memory_space<vmem>> -> memref<1x128xi32, #tpu.memory_space<vmem>>
    %dma_start3A_25 = tpu.memref_squeeze %dma_start3A_24 : memref<1x128xi32, #tpu.memory_space<vmem>> -> memref<128xi32, #tpu.memory_space<vmem>>
    %dma_start3A_26 = arith.constant 0 : i32
    %dma_start3A_27 = tpu.memref_slice %arg6[%dma_start3A_26] : memref<1000000xf32, #tpu.memory_space<hbm>> -> memref<1000000xf32, #tpu.memory_space<hbm>>
    tpu.enqueue_indirect_dma source(%dma_start3A_27 : memref<1000000xf32, #tpu.memory_space<hbm>>) target(%dma_start3A_22 : memref<128xf32, #tpu.memory_space<vmem>>) offsets(%dma_start3A_25 : memref<128xi32, #tpu.memory_space<vmem>>) semaphore(%arg17 : memref<!tpu.dma_semaphore, #tpu.memory_space<semaphore_mem>>)
    %dma_start3A_28 = arith.constant 0 : i32
    %dma_start3A_29 = arith.constant 0 : i32
    %dma_start3A_30 = tpu.memref_slice %arg14[%dma_start3A_29] : memref<512xf32, #tpu.memory_space<vmem>> -> memref<128xf32, #tpu.memory_space<vmem>>
    %dma_start3A_31 = arith.constant 0 : i32
    %dma_start3A_32 = tpu.memref_slice %arg10[%dma_start3A_28, %dma_start3A_31] : memref<4x128xi32, #tpu.memory_space<vmem>> -> memref<1x128xi32, #tpu.memory_space<vmem>>
    %dma_start3A_33 = tpu.memref_squeeze %dma_start3A_32 : memref<1x128xi32, #tpu.memory_space<vmem>> -> memref<128xi32, #tpu.memory_space<vmem>>
    %dma_start3A_34 = arith.constant 0 : i32
    %dma_start3A_35 = tpu.memref_slice %arg7[%dma_start3A_34] : memref<1000000xf32, #tpu.memory_space<hbm>> -> memref<1000000xf32, #tpu.memory_space<hbm>>
    tpu.enqueue_indirect_dma source(%dma_start3A_35 : memref<1000000xf32, #tpu.memory_space<hbm>>) target(%dma_start3A_30 : memref<128xf32, #tpu.memory_space<vmem>>) offsets(%dma_start3A_33 : memref<128xi32, #tpu.memory_space<vmem>>) semaphore(%arg17 : memref<!tpu.dma_semaphore, #tpu.memory_space<semaphore_mem>>)
    %dma_start3A_36 = arith.constant 1 : i32
    %dma_start3A_37 = arith.constant 128 : i32
    %dma_start3A_38 = arith.constant 0 : i32
    %dma_start3A_39 = tpu.memref_slice %arg11[%dma_start3A_37, %dma_start3A_38] : memref<512x32xf32, #tpu.memory_space<vmem>> -> memref<128x32xf32, #tpu.memory_space<vmem>>
    %dma_start3A_40 = arith.constant 0 : i32
    %dma_start3A_41 = tpu.memref_slice %arg9[%dma_start3A_36, %dma_start3A_40] : memref<4x128xi32, #tpu.memory_space<vmem>> -> memref<1x128xi32, #tpu.memory_space<vmem>>
    %dma_start3A_42 = tpu.memref_squeeze %dma_start3A_41 : memref<1x128xi32, #tpu.memory_space<vmem>> -> memref<128xi32, #tpu.memory_space<vmem>>
    %dma_start3A_43 = arith.constant 0 : i32
    %dma_start3A_44 = arith.constant 0 : i32
    %dma_start3A_45 = tpu.memref_slice %arg4[%dma_start3A_43, %dma_start3A_44] : memref<1000000x32xf32, #tpu.memory_space<hbm>> -> memref<1000000x32xf32, #tpu.memory_space<hbm>>
    tpu.enqueue_indirect_dma source(%dma_start3A_45 : memref<1000000x32xf32, #tpu.memory_space<hbm>>) target(%dma_start3A_39 : memref<128x32xf32, #tpu.memory_space<vmem>>) offsets(%dma_start3A_42 : memref<128xi32, #tpu.memory_space<vmem>>) semaphore(%arg17 : memref<!tpu.dma_semaphore, #tpu.memory_space<semaphore_mem>>)
    %dma_start3A_46 = arith.constant 1 : i32
    %dma_start3A_47 = arith.constant 128 : i32
    %dma_start3A_48 = arith.constant 0 : i32
    %dma_start3A_49 = tpu.memref_slice %arg12[%dma_start3A_47, %dma_start3A_48] : memref<512x32xf32, #tpu.memory_space<vmem>> -> memref<128x32xf32, #tpu.memory_space<vmem>>
    %dma_start3A_50 = arith.constant 0 : i32
    %dma_start3A_51 = tpu.memref_slice %arg10[%dma_start3A_46, %dma_start3A_50] : memref<4x128xi32, #tpu.memory_space<vmem>> -> memref<1x128xi32, #tpu.memory_space<vmem>>
    %dma_start3A_52 = tpu.memref_squeeze %dma_start3A_51 : memref<1x128xi32, #tpu.memory_space<vmem>> -> memref<128xi32, #tpu.memory_space<vmem>>
    %dma_start3A_53 = arith.constant 0 : i32
    %dma_start3A_54 = arith.constant 0 : i32
    %dma_start3A_55 = tpu.memref_slice %arg5[%dma_start3A_53, %dma_start3A_54] : memref<1000000x32xf32, #tpu.memory_space<hbm>> -> memref<1000000x32xf32, #tpu.memory_space<hbm>>
    tpu.enqueue_indirect_dma source(%dma_start3A_55 : memref<1000000x32xf32, #tpu.memory_space<hbm>>) target(%dma_start3A_49 : memref<128x32xf32, #tpu.memory_space<vmem>>) offsets(%dma_start3A_52 : memref<128xi32, #tpu.memory_space<vmem>>) semaphore(%arg17 : memref<!tpu.dma_semaphore, #tpu.memory_space<semaphore_mem>>)
    %dma_start3A_56 = arith.constant 1 : i32
    %dma_start3A_57 = arith.constant 128 : i32
    %dma_start3A_58 = tpu.memref_slice %arg13[%dma_start3A_57] : memref<512xf32, #tpu.memory_space<vmem>> -> memref<128xf32, #tpu.memory_space<vmem>>
    %dma_start3A_59 = arith.constant 0 : i32
    %dma_start3A_60 = tpu.memref_slice %arg9[%dma_start3A_56, %dma_start3A_59] : memref<4x128xi32, #tpu.memory_space<vmem>> -> memref<1x128xi32, #tpu.memory_space<vmem>>
    %dma_start3A_61 = tpu.memref_squeeze %dma_start3A_60 : memref<1x128xi32, #tpu.memory_space<vmem>> -> memref<128xi32, #tpu.memory_space<vmem>>
    %dma_start3A_62 = arith.constant 0 : i32
    %dma_start3A_63 = tpu.memref_slice %arg6[%dma_start3A_62] : memref<1000000xf32, #tpu.memory_space<hbm>> -> memref<1000000xf32, #tpu.memory_space<hbm>>
    tpu.enqueue_indirect_dma source(%dma_start3A_63 : memref<1000000xf32, #tpu.memory_space<hbm>>) target(%dma_start3A_58 : memref<128xf32, #tpu.memory_space<vmem>>) offsets(%dma_start3A_61 : memref<128xi32, #tpu.memory_space<vmem>>) semaphore(%arg17 : memref<!tpu.dma_semaphore, #tpu.memory_space<semaphore_mem>>)
    %dma_start3A_64 = arith.constant 1 : i32
    %dma_start3A_65 = arith.constant 128 : i32
    %dma_start3A_66 = tpu.memref_slice %arg14[%dma_start3A_65] : memref<512xf32, #tpu.memory_space<vmem>> -> memref<128xf32, #tpu.memory_space<vmem>>
    %dma_start3A_67 = arith.constant 0 : i32
    %dma_start3A_68 = tpu.memref_slice %arg10[%dma_start3A_64, %dma_start3A_67] : memref<4x128xi32, #tpu.memory_space<vmem>> -> memref<1x128xi32, #tpu.memory_space<vmem>>
    %dma_start3A_69 = tpu.memref_squeeze %dma_start3A_68 : memref<1x128xi32, #tpu.memory_space<vmem>> -> memref<128xi32, #tpu.memory_space<vmem>>
    %dma_start3A_70 = arith.constant 0 : i32
    %dma_start3A_71 = tpu.memref_slice %arg7[%dma_start3A_70] : memref<1000000xf32, #tpu.memory_space<hbm>> -> memref<1000000xf32, #tpu.memory_space<hbm>>
    tpu.enqueue_indirect_dma source(%dma_start3A_71 : memref<1000000xf32, #tpu.memory_space<hbm>>) target(%dma_start3A_66 : memref<128xf32, #tpu.memory_space<vmem>>) offsets(%dma_start3A_69 : memref<128xi32, #tpu.memory_space<vmem>>) semaphore(%arg17 : memref<!tpu.dma_semaphore, #tpu.memory_space<semaphore_mem>>)
    %dma_start3A_72 = arith.constant 2 : i32
    %dma_start3A_73 = arith.constant 256 : i32
    %dma_start3A_74 = arith.constant 0 : i32
    %dma_start3A_75 = tpu.memref_slice %arg11[%dma_start3A_73, %dma_start3A_74] : memref<512x32xf32, #tpu.memory_space<vmem>> -> memref<128x32xf32, #tpu.memory_space<vmem>>
    %dma_start3A_76 = arith.constant 0 : i32
    %dma_start3A_77 = tpu.memref_slice %arg9[%dma_start3A_72, %dma_start3A_76] : memref<4x128xi32, #tpu.memory_space<vmem>> -> memref<1x128xi32, #tpu.memory_space<vmem>>
    %dma_start3A_78 = tpu.memref_squeeze %dma_start3A_77 : memref<1x128xi32, #tpu.memory_space<vmem>> -> memref<128xi32, #tpu.memory_space<vmem>>
    %dma_start3A_79 = arith.constant 0 : i32
    %dma_start3A_80 = arith.constant 0 : i32
    %dma_start3A_81 = tpu.memref_slice %arg4[%dma_start3A_79, %dma_start3A_80] : memref<1000000x32xf32, #tpu.memory_space<hbm>> -> memref<1000000x32xf32, #tpu.memory_space<hbm>>
    tpu.enqueue_indirect_dma source(%dma_start3A_81 : memref<1000000x32xf32, #tpu.memory_space<hbm>>) target(%dma_start3A_75 : memref<128x32xf32, #tpu.memory_space<vmem>>) offsets(%dma_start3A_78 : memref<128xi32, #tpu.memory_space<vmem>>) semaphore(%arg17 : memref<!tpu.dma_semaphore, #tpu.memory_space<semaphore_mem>>)
    %dma_start3A_82 = arith.constant 2 : i32
    %dma_start3A_83 = arith.constant 256 : i32
    %dma_start3A_84 = arith.constant 0 : i32
    %dma_start3A_85 = tpu.memref_slice %arg12[%dma_start3A_83, %dma_start3A_84] : memref<512x32xf32, #tpu.memory_space<vmem>> -> memref<128x32xf32, #tpu.memory_space<vmem>>
    %dma_start3A_86 = arith.constant 0 : i32
    %dma_start3A_87 = tpu.memref_slice %arg10[%dma_start3A_82, %dma_start3A_86] : memref<4x128xi32, #tpu.memory_space<vmem>> -> memref<1x128xi32, #tpu.memory_space<vmem>>
    %dma_start3A_88 = tpu.memref_squeeze %dma_start3A_87 : memref<1x128xi32, #tpu.memory_space<vmem>> -> memref<128xi32, #tpu.memory_space<vmem>>
    %dma_start3A_89 = arith.constant 0 : i32
    %dma_start3A_90 = arith.constant 0 : i32
    %dma_start3A_91 = tpu.memref_slice %arg5[%dma_start3A_89, %dma_start3A_90] : memref<1000000x32xf32, #tpu.memory_space<hbm>> -> memref<1000000x32xf32, #tpu.memory_space<hbm>>
    tpu.enqueue_indirect_dma source(%dma_start3A_91 : memref<1000000x32xf32, #tpu.memory_space<hbm>>) target(%dma_start3A_85 : memref<128x32xf32, #tpu.memory_space<vmem>>) offsets(%dma_start3A_88 : memref<128xi32, #tpu.memory_space<vmem>>) semaphore(%arg17 : memref<!tpu.dma_semaphore, #tpu.memory_space<semaphore_mem>>)
    %dma_start3A_92 = arith.constant 2 : i32
    %dma_start3A_93 = arith.constant 256 : i32
    %dma_start3A_94 = tpu.memref_slice %arg13[%dma_start3A_93] : memref<512xf32, #tpu.memory_space<vmem>> -> memref<128xf32, #tpu.memory_space<vmem>>
    %dma_start3A_95 = arith.constant 0 : i32
    %dma_start3A_96 = tpu.memref_slice %arg9[%dma_start3A_92, %dma_start3A_95] : memref<4x128xi32, #tpu.memory_space<vmem>> -> memref<1x128xi32, #tpu.memory_space<vmem>>
    %dma_start3A_97 = tpu.memref_squeeze %dma_start3A_96 : memref<1x128xi32, #tpu.memory_space<vmem>> -> memref<128xi32, #tpu.memory_space<vmem>>
    %dma_start3A_98 = arith.constant 0 : i32
    %dma_start3A_99 = tpu.memref_slice %arg6[%dma_start3A_98] : memref<1000000xf32, #tpu.memory_space<hbm>> -> memref<1000000xf32, #tpu.memory_space<hbm>>
    tpu.enqueue_indirect_dma source(%dma_start3A_99 : memref<1000000xf32, #tpu.memory_space<hbm>>) target(%dma_start3A_94 : memref<128xf32, #tpu.memory_space<vmem>>) offsets(%dma_start3A_97 : memref<128xi32, #tpu.memory_space<vmem>>) semaphore(%arg17 : memref<!tpu.dma_semaphore, #tpu.memory_space<semaphore_mem>>)
    %dma_start3A_100 = arith.constant 2 : i32
    %dma_start3A_101 = arith.constant 256 : i32
    %dma_start3A_102 = tpu.memref_slice %arg14[%dma_start3A_101] : memref<512xf32, #tpu.memory_space<vmem>> -> memref<128xf32, #tpu.memory_space<vmem>>
    %dma_start3A_103 = arith.constant 0 : i32
    %dma_start3A_104 = tpu.memref_slice %arg10[%dma_start3A_100, %dma_start3A_103] : memref<4x128xi32, #tpu.memory_space<vmem>> -> memref<1x128xi32, #tpu.memory_space<vmem>>
    %dma_start3A_105 = tpu.memref_squeeze %dma_start3A_104 : memref<1x128xi32, #tpu.memory_space<vmem>> -> memref<128xi32, #tpu.memory_space<vmem>>
    %dma_start3A_106 = arith.constant 0 : i32
    %dma_start3A_107 = tpu.memref_slice %arg7[%dma_start3A_106] : memref<1000000xf32, #tpu.memory_space<hbm>> -> memref<1000000xf32, #tpu.memory_space<hbm>>
    tpu.enqueue_indirect_dma source(%dma_start3A_107 : memref<1000000xf32, #tpu.memory_space<hbm>>) target(%dma_start3A_102 : memref<128xf32, #tpu.memory_space<vmem>>) offsets(%dma_start3A_105 : memref<128xi32, #tpu.memory_space<vmem>>) semaphore(%arg17 : memref<!tpu.dma_semaphore, #tpu.memory_space<semaphore_mem>>)
    %dma_start3A_108 = arith.constant 3 : i32
    %dma_start3A_109 = arith.constant 384 : i32
    %dma_start3A_110 = arith.constant 0 : i32
    %dma_start3A_111 = tpu.memref_slice %arg11[%dma_start3A_109, %dma_start3A_110] : memref<512x32xf32, #tpu.memory_space<vmem>> -> memref<128x32xf32, #tpu.memory_space<vmem>>
    %dma_start3A_112 = arith.constant 0 : i32
    %dma_start3A_113 = tpu.memref_slice %arg9[%dma_start3A_108, %dma_start3A_112] : memref<4x128xi32, #tpu.memory_space<vmem>> -> memref<1x128xi32, #tpu.memory_space<vmem>>
    %dma_start3A_114 = tpu.memref_squeeze %dma_start3A_113 : memref<1x128xi32, #tpu.memory_space<vmem>> -> memref<128xi32, #tpu.memory_space<vmem>>
    %dma_start3A_115 = arith.constant 0 : i32
    %dma_start3A_116 = arith.constant 0 : i32
    %dma_start3A_117 = tpu.memref_slice %arg4[%dma_start3A_115, %dma_start3A_116] : memref<1000000x32xf32, #tpu.memory_space<hbm>> -> memref<1000000x32xf32, #tpu.memory_space<hbm>>
    tpu.enqueue_indirect_dma source(%dma_start3A_117 : memref<1000000x32xf32, #tpu.memory_space<hbm>>) target(%dma_start3A_111 : memref<128x32xf32, #tpu.memory_space<vmem>>) offsets(%dma_start3A_114 : memref<128xi32, #tpu.memory_space<vmem>>) semaphore(%arg17 : memref<!tpu.dma_semaphore, #tpu.memory_space<semaphore_mem>>)
    %dma_start3A_118 = arith.constant 3 : i32
    %dma_start3A_119 = arith.constant 384 : i32
    %dma_start3A_120 = arith.constant 0 : i32
    %dma_start3A_121 = tpu.memref_slice %arg12[%dma_start3A_119, %dma_start3A_120] : memref<512x32xf32, #tpu.memory_space<vmem>> -> memref<128x32xf32, #tpu.memory_space<vmem>>
    %dma_start3A_122 = arith.constant 0 : i32
    %dma_start3A_123 = tpu.memref_slice %arg10[%dma_start3A_118, %dma_start3A_122] : memref<4x128xi32, #tpu.memory_space<vmem>> -> memref<1x128xi32, #tpu.memory_space<vmem>>
    %dma_start3A_124 = tpu.memref_squeeze %dma_start3A_123 : memref<1x128xi32, #tpu.memory_space<vmem>> -> memref<128xi32, #tpu.memory_space<vmem>>
    %dma_start3A_125 = arith.constant 0 : i32
    %dma_start3A_126 = arith.constant 0 : i32
    %dma_start3A_127 = tpu.memref_slice %arg5[%dma_start3A_125, %dma_start3A_126] : memref<1000000x32xf32, #tpu.memory_space<hbm>> -> memref<1000000x32xf32, #tpu.memory_space<hbm>>
    tpu.enqueue_indirect_dma source(%dma_start3A_127 : memref<1000000x32xf32, #tpu.memory_space<hbm>>) target(%dma_start3A_121 : memref<128x32xf32, #tpu.memory_space<vmem>>) offsets(%dma_start3A_124 : memref<128xi32, #tpu.memory_space<vmem>>) semaphore(%arg17 : memref<!tpu.dma_semaphore, #tpu.memory_space<semaphore_mem>>)
    %dma_start3A_128 = arith.constant 3 : i32
    %dma_start3A_129 = arith.constant 384 : i32
    %dma_start3A_130 = tpu.memref_slice %arg13[%dma_start3A_129] : memref<512xf32, #tpu.memory_space<vmem>> -> memref<128xf32, #tpu.memory_space<vmem>>
    %dma_start3A_131 = arith.constant 0 : i32
    %dma_start3A_132 = tpu.memref_slice %arg9[%dma_start3A_128, %dma_start3A_131] : memref<4x128xi32, #tpu.memory_space<vmem>> -> memref<1x128xi32, #tpu.memory_space<vmem>>
    %dma_start3A_133 = tpu.memref_squeeze %dma_start3A_132 : memref<1x128xi32, #tpu.memory_space<vmem>> -> memref<128xi32, #tpu.memory_space<vmem>>
    %dma_start3A_134 = arith.constant 0 : i32
    %dma_start3A_135 = tpu.memref_slice %arg6[%dma_start3A_134] : memref<1000000xf32, #tpu.memory_space<hbm>> -> memref<1000000xf32, #tpu.memory_space<hbm>>
    tpu.enqueue_indirect_dma source(%dma_start3A_135 : memref<1000000xf32, #tpu.memory_space<hbm>>) target(%dma_start3A_130 : memref<128xf32, #tpu.memory_space<vmem>>) offsets(%dma_start3A_133 : memref<128xi32, #tpu.memory_space<vmem>>) semaphore(%arg17 : memref<!tpu.dma_semaphore, #tpu.memory_space<semaphore_mem>>)
    %dma_start3A_136 = arith.constant 3 : i32
    %dma_start3A_137 = arith.constant 384 : i32
    %dma_start3A_138 = tpu.memref_slice %arg14[%dma_start3A_137] : memref<512xf32, #tpu.memory_space<vmem>> -> memref<128xf32, #tpu.memory_space<vmem>>
    %dma_start3A_139 = arith.constant 0 : i32
    %dma_start3A_140 = tpu.memref_slice %arg10[%dma_start3A_136, %dma_start3A_139] : memref<4x128xi32, #tpu.memory_space<vmem>> -> memref<1x128xi32, #tpu.memory_space<vmem>>
    %dma_start3A_141 = tpu.memref_squeeze %dma_start3A_140 : memref<1x128xi32, #tpu.memory_space<vmem>> -> memref<128xi32, #tpu.memory_space<vmem>>
    %dma_start3A_142 = arith.constant 0 : i32
    %dma_start3A_143 = tpu.memref_slice %arg7[%dma_start3A_142] : memref<1000000xf32, #tpu.memory_space<hbm>> -> memref<1000000xf32, #tpu.memory_space<hbm>>
    tpu.enqueue_indirect_dma source(%dma_start3A_143 : memref<1000000xf32, #tpu.memory_space<hbm>>) target(%dma_start3A_138 : memref<128xf32, #tpu.memory_space<vmem>>) offsets(%dma_start3A_141 : memref<128xi32, #tpu.memory_space<vmem>>) semaphore(%arg17 : memref<!tpu.dma_semaphore, #tpu.memory_space<semaphore_mem>>)
    %dma_wait3A = arith.constant 0 : i32
    %dma_wait3A_144 = arith.constant 0 : i32
    %dma_wait3A_145 = arith.constant 0 : i32
    %dma_wait3A_146 = tpu.memref_slice %arg11[%dma_wait3A_144, %dma_wait3A_145] : memref<512x32xf32, #tpu.memory_space<vmem>> -> memref<128x32xf32, #tpu.memory_space<vmem>>
    %dma_wait3A_147 = arith.constant 0 : i32
    %dma_wait3A_148 = tpu.memref_slice %arg9[%dma_wait3A, %dma_wait3A_147] : memref<4x128xi32, #tpu.memory_space<vmem>> -> memref<1x128xi32, #tpu.memory_space<vmem>>
    %dma_wait3A_149 = tpu.memref_squeeze %dma_wait3A_148 : memref<1x128xi32, #tpu.memory_space<vmem>> -> memref<128xi32, #tpu.memory_space<vmem>>
    %dma_wait3A_150 = arith.constant 0 : i32
    %dma_wait3A_151 = arith.constant 0 : i32
    %dma_wait3A_152 = tpu.memref_slice %arg4[%dma_wait3A_150, %dma_wait3A_151] : memref<1000000x32xf32, #tpu.memory_space<hbm>> -> memref<1000000x32xf32, #tpu.memory_space<hbm>>
    tpu.wait_indirect_dma semaphore(%arg17 : memref<!tpu.dma_semaphore, #tpu.memory_space<semaphore_mem>>) src(%dma_wait3A_152 : memref<1000000x32xf32, #tpu.memory_space<hbm>>) dst(%dma_wait3A_146 : memref<128x32xf32, #tpu.memory_space<vmem>>)
    %dma_wait3A_153 = arith.constant 0 : i32
    %dma_wait3A_154 = arith.constant 0 : i32
    %dma_wait3A_155 = arith.constant 0 : i32
    %dma_wait3A_156 = tpu.memref_slice %arg12[%dma_wait3A_154, %dma_wait3A_155] : memref<512x32xf32, #tpu.memory_space<vmem>> -> memref<128x32xf32, #tpu.memory_space<vmem>>
    %dma_wait3A_157 = arith.constant 0 : i32
    %dma_wait3A_158 = tpu.memref_slice %arg10[%dma_wait3A_153, %dma_wait3A_157] : memref<4x128xi32, #tpu.memory_space<vmem>> -> memref<1x128xi32, #tpu.memory_space<vmem>>
    %dma_wait3A_159 = tpu.memref_squeeze %dma_wait3A_158 : memref<1x128xi32, #tpu.memory_space<vmem>> -> memref<128xi32, #tpu.memory_space<vmem>>
    %dma_wait3A_160 = arith.constant 0 : i32
    %dma_wait3A_161 = arith.constant 0 : i32
    %dma_wait3A_162 = tpu.memref_slice %arg5[%dma_wait3A_160, %dma_wait3A_161] : memref<1000000x32xf32, #tpu.memory_space<hbm>> -> memref<1000000x32xf32, #tpu.memory_space<hbm>>
    tpu.wait_indirect_dma semaphore(%arg17 : memref<!tpu.dma_semaphore, #tpu.memory_space<semaphore_mem>>) src(%dma_wait3A_162 : memref<1000000x32xf32, #tpu.memory_space<hbm>>) dst(%dma_wait3A_156 : memref<128x32xf32, #tpu.memory_space<vmem>>)
    %dma_wait3A_163 = arith.constant 0 : i32
    %dma_wait3A_164 = arith.constant 0 : i32
    %dma_wait3A_165 = tpu.memref_slice %arg13[%dma_wait3A_164] : memref<512xf32, #tpu.memory_space<vmem>> -> memref<128xf32, #tpu.memory_space<vmem>>
    %dma_wait3A_166 = arith.constant 0 : i32
    %dma_wait3A_167 = tpu.memref_slice %arg9[%dma_wait3A_163, %dma_wait3A_166] : memref<4x128xi32, #tpu.memory_space<vmem>> -> memref<1x128xi32, #tpu.memory_space<vmem>>
    %dma_wait3A_168 = tpu.memref_squeeze %dma_wait3A_167 : memref<1x128xi32, #tpu.memory_space<vmem>> -> memref<128xi32, #tpu.memory_space<vmem>>
    %dma_wait3A_169 = arith.constant 0 : i32
    %dma_wait3A_170 = tpu.memref_slice %arg6[%dma_wait3A_169] : memref<1000000xf32, #tpu.memory_space<hbm>> -> memref<1000000xf32, #tpu.memory_space<hbm>>
    tpu.wait_indirect_dma semaphore(%arg17 : memref<!tpu.dma_semaphore, #tpu.memory_space<semaphore_mem>>) src(%dma_wait3A_170 : memref<1000000xf32, #tpu.memory_space<hbm>>) dst(%dma_wait3A_165 : memref<128xf32, #tpu.memory_space<vmem>>)
    %dma_wait3A_171 = arith.constant 0 : i32
    %dma_wait3A_172 = arith.constant 0 : i32
    %dma_wait3A_173 = tpu.memref_slice %arg14[%dma_wait3A_172] : memref<512xf32, #tpu.memory_space<vmem>> -> memref<128xf32, #tpu.memory_space<vmem>>
    %dma_wait3A_174 = arith.constant 0 : i32
    %dma_wait3A_175 = tpu.memref_slice %arg10[%dma_wait3A_171, %dma_wait3A_174] : memref<4x128xi32, #tpu.memory_space<vmem>> -> memref<1x128xi32, #tpu.memory_space<vmem>>
    %dma_wait3A_176 = tpu.memref_squeeze %dma_wait3A_175 : memref<1x128xi32, #tpu.memory_space<vmem>> -> memref<128xi32, #tpu.memory_space<vmem>>
    %dma_wait3A_177 = arith.constant 0 : i32
    %dma_wait3A_178 = tpu.memref_slice %arg7[%dma_wait3A_177] : memref<1000000xf32, #tpu.memory_space<hbm>> -> memref<1000000xf32, #tpu.memory_space<hbm>>
    tpu.wait_indirect_dma semaphore(%arg17 : memref<!tpu.dma_semaphore, #tpu.memory_space<semaphore_mem>>) src(%dma_wait3A_178 : memref<1000000xf32, #tpu.memory_space<hbm>>) dst(%dma_wait3A_173 : memref<128xf32, #tpu.memory_space<vmem>>)
    %dma_wait3A_179 = arith.constant 1 : i32
    %dma_wait3A_180 = arith.constant 128 : i32
    %dma_wait3A_181 = arith.constant 0 : i32
    %dma_wait3A_182 = tpu.memref_slice %arg11[%dma_wait3A_180, %dma_wait3A_181] : memref<512x32xf32, #tpu.memory_space<vmem>> -> memref<128x32xf32, #tpu.memory_space<vmem>>
    %dma_wait3A_183 = arith.constant 0 : i32
    %dma_wait3A_184 = tpu.memref_slice %arg9[%dma_wait3A_179, %dma_wait3A_183] : memref<4x128xi32, #tpu.memory_space<vmem>> -> memref<1x128xi32, #tpu.memory_space<vmem>>
    %dma_wait3A_185 = tpu.memref_squeeze %dma_wait3A_184 : memref<1x128xi32, #tpu.memory_space<vmem>> -> memref<128xi32, #tpu.memory_space<vmem>>
    %dma_wait3A_186 = arith.constant 0 : i32
    %dma_wait3A_187 = arith.constant 0 : i32
    %dma_wait3A_188 = tpu.memref_slice %arg4[%dma_wait3A_186, %dma_wait3A_187] : memref<1000000x32xf32, #tpu.memory_space<hbm>> -> memref<1000000x32xf32, #tpu.memory_space<hbm>>
    tpu.wait_indirect_dma semaphore(%arg17 : memref<!tpu.dma_semaphore, #tpu.memory_space<semaphore_mem>>) src(%dma_wait3A_188 : memref<1000000x32xf32, #tpu.memory_space<hbm>>) dst(%dma_wait3A_182 : memref<128x32xf32, #tpu.memory_space<vmem>>)
    %dma_wait3A_189 = arith.constant 1 : i32
    %dma_wait3A_190 = arith.constant 128 : i32
    %dma_wait3A_191 = arith.constant 0 : i32
    %dma_wait3A_192 = tpu.memref_slice %arg12[%dma_wait3A_190, %dma_wait3A_191] : memref<512x32xf32, #tpu.memory_space<vmem>> -> memref<128x32xf32, #tpu.memory_space<vmem>>
    %dma_wait3A_193 = arith.constant 0 : i32
    %dma_wait3A_194 = tpu.memref_slice %arg10[%dma_wait3A_189, %dma_wait3A_193] : memref<4x128xi32, #tpu.memory_space<vmem>> -> memref<1x128xi32, #tpu.memory_space<vmem>>
    %dma_wait3A_195 = tpu.memref_squeeze %dma_wait3A_194 : memref<1x128xi32, #tpu.memory_space<vmem>> -> memref<128xi32, #tpu.memory_space<vmem>>
    %dma_wait3A_196 = arith.constant 0 : i32
    %dma_wait3A_197 = arith.constant 0 : i32
    %dma_wait3A_198 = tpu.memref_slice %arg5[%dma_wait3A_196, %dma_wait3A_197] : memref<1000000x32xf32, #tpu.memory_space<hbm>> -> memref<1000000x32xf32, #tpu.memory_space<hbm>>
    tpu.wait_indirect_dma semaphore(%arg17 : memref<!tpu.dma_semaphore, #tpu.memory_space<semaphore_mem>>) src(%dma_wait3A_198 : memref<1000000x32xf32, #tpu.memory_space<hbm>>) dst(%dma_wait3A_192 : memref<128x32xf32, #tpu.memory_space<vmem>>)
    %dma_wait3A_199 = arith.constant 1 : i32
    %dma_wait3A_200 = arith.constant 128 : i32
    %dma_wait3A_201 = tpu.memref_slice %arg13[%dma_wait3A_200] : memref<512xf32, #tpu.memory_space<vmem>> -> memref<128xf32, #tpu.memory_space<vmem>>
    %dma_wait3A_202 = arith.constant 0 : i32
    %dma_wait3A_203 = tpu.memref_slice %arg9[%dma_wait3A_199, %dma_wait3A_202] : memref<4x128xi32, #tpu.memory_space<vmem>> -> memref<1x128xi32, #tpu.memory_space<vmem>>
    %dma_wait3A_204 = tpu.memref_squeeze %dma_wait3A_203 : memref<1x128xi32, #tpu.memory_space<vmem>> -> memref<128xi32, #tpu.memory_space<vmem>>
    %dma_wait3A_205 = arith.constant 0 : i32
    %dma_wait3A_206 = tpu.memref_slice %arg6[%dma_wait3A_205] : memref<1000000xf32, #tpu.memory_space<hbm>> -> memref<1000000xf32, #tpu.memory_space<hbm>>
    tpu.wait_indirect_dma semaphore(%arg17 : memref<!tpu.dma_semaphore, #tpu.memory_space<semaphore_mem>>) src(%dma_wait3A_206 : memref<1000000xf32, #tpu.memory_space<hbm>>) dst(%dma_wait3A_201 : memref<128xf32, #tpu.memory_space<vmem>>)
    %dma_wait3A_207 = arith.constant 1 : i32
    %dma_wait3A_208 = arith.constant 128 : i32
    %dma_wait3A_209 = tpu.memref_slice %arg14[%dma_wait3A_208] : memref<512xf32, #tpu.memory_space<vmem>> -> memref<128xf32, #tpu.memory_space<vmem>>
    %dma_wait3A_210 = arith.constant 0 : i32
    %dma_wait3A_211 = tpu.memref_slice %arg10[%dma_wait3A_207, %dma_wait3A_210] : memref<4x128xi32, #tpu.memory_space<vmem>> -> memref<1x128xi32, #tpu.memory_space<vmem>>
    %dma_wait3A_212 = tpu.memref_squeeze %dma_wait3A_211 : memref<1x128xi32, #tpu.memory_space<vmem>> -> memref<128xi32, #tpu.memory_space<vmem>>
    %dma_wait3A_213 = arith.constant 0 : i32
    %dma_wait3A_214 = tpu.memref_slice %arg7[%dma_wait3A_213] : memref<1000000xf32, #tpu.memory_space<hbm>> -> memref<1000000xf32, #tpu.memory_space<hbm>>
    tpu.wait_indirect_dma semaphore(%arg17 : memref<!tpu.dma_semaphore, #tpu.memory_space<semaphore_mem>>) src(%dma_wait3A_214 : memref<1000000xf32, #tpu.memory_space<hbm>>) dst(%dma_wait3A_209 : memref<128xf32, #tpu.memory_space<vmem>>)
    %dma_wait3A_215 = arith.constant 2 : i32
    %dma_wait3A_216 = arith.constant 256 : i32
    %dma_wait3A_217 = arith.constant 0 : i32
    %dma_wait3A_218 = tpu.memref_slice %arg11[%dma_wait3A_216, %dma_wait3A_217] : memref<512x32xf32, #tpu.memory_space<vmem>> -> memref<128x32xf32, #tpu.memory_space<vmem>>
    %dma_wait3A_219 = arith.constant 0 : i32
    %dma_wait3A_220 = tpu.memref_slice %arg9[%dma_wait3A_215, %dma_wait3A_219] : memref<4x128xi32, #tpu.memory_space<vmem>> -> memref<1x128xi32, #tpu.memory_space<vmem>>
    %dma_wait3A_221 = tpu.memref_squeeze %dma_wait3A_220 : memref<1x128xi32, #tpu.memory_space<vmem>> -> memref<128xi32, #tpu.memory_space<vmem>>
    %dma_wait3A_222 = arith.constant 0 : i32
    %dma_wait3A_223 = arith.constant 0 : i32
    %dma_wait3A_224 = tpu.memref_slice %arg4[%dma_wait3A_222, %dma_wait3A_223] : memref<1000000x32xf32, #tpu.memory_space<hbm>> -> memref<1000000x32xf32, #tpu.memory_space<hbm>>
    tpu.wait_indirect_dma semaphore(%arg17 : memref<!tpu.dma_semaphore, #tpu.memory_space<semaphore_mem>>) src(%dma_wait3A_224 : memref<1000000x32xf32, #tpu.memory_space<hbm>>) dst(%dma_wait3A_218 : memref<128x32xf32, #tpu.memory_space<vmem>>)
    %dma_wait3A_225 = arith.constant 2 : i32
    %dma_wait3A_226 = arith.constant 256 : i32
    %dma_wait3A_227 = arith.constant 0 : i32
    %dma_wait3A_228 = tpu.memref_slice %arg12[%dma_wait3A_226, %dma_wait3A_227] : memref<512x32xf32, #tpu.memory_space<vmem>> -> memref<128x32xf32, #tpu.memory_space<vmem>>
    %dma_wait3A_229 = arith.constant 0 : i32
    %dma_wait3A_230 = tpu.memref_slice %arg10[%dma_wait3A_225, %dma_wait3A_229] : memref<4x128xi32, #tpu.memory_space<vmem>> -> memref<1x128xi32, #tpu.memory_space<vmem>>
    %dma_wait3A_231 = tpu.memref_squeeze %dma_wait3A_230 : memref<1x128xi32, #tpu.memory_space<vmem>> -> memref<128xi32, #tpu.memory_space<vmem>>
    %dma_wait3A_232 = arith.constant 0 : i32
    %dma_wait3A_233 = arith.constant 0 : i32
    %dma_wait3A_234 = tpu.memref_slice %arg5[%dma_wait3A_232, %dma_wait3A_233] : memref<1000000x32xf32, #tpu.memory_space<hbm>> -> memref<1000000x32xf32, #tpu.memory_space<hbm>>
    tpu.wait_indirect_dma semaphore(%arg17 : memref<!tpu.dma_semaphore, #tpu.memory_space<semaphore_mem>>) src(%dma_wait3A_234 : memref<1000000x32xf32, #tpu.memory_space<hbm>>) dst(%dma_wait3A_228 : memref<128x32xf32, #tpu.memory_space<vmem>>)
    %dma_wait3A_235 = arith.constant 2 : i32
    %dma_wait3A_236 = arith.constant 256 : i32
    %dma_wait3A_237 = tpu.memref_slice %arg13[%dma_wait3A_236] : memref<512xf32, #tpu.memory_space<vmem>> -> memref<128xf32, #tpu.memory_space<vmem>>
    %dma_wait3A_238 = arith.constant 0 : i32
    %dma_wait3A_239 = tpu.memref_slice %arg9[%dma_wait3A_235, %dma_wait3A_238] : memref<4x128xi32, #tpu.memory_space<vmem>> -> memref<1x128xi32, #tpu.memory_space<vmem>>
    %dma_wait3A_240 = tpu.memref_squeeze %dma_wait3A_239 : memref<1x128xi32, #tpu.memory_space<vmem>> -> memref<128xi32, #tpu.memory_space<vmem>>
    %dma_wait3A_241 = arith.constant 0 : i32
    %dma_wait3A_242 = tpu.memref_slice %arg6[%dma_wait3A_241] : memref<1000000xf32, #tpu.memory_space<hbm>> -> memref<1000000xf32, #tpu.memory_space<hbm>>
    tpu.wait_indirect_dma semaphore(%arg17 : memref<!tpu.dma_semaphore, #tpu.memory_space<semaphore_mem>>) src(%dma_wait3A_242 : memref<1000000xf32, #tpu.memory_space<hbm>>) dst(%dma_wait3A_237 : memref<128xf32, #tpu.memory_space<vmem>>)
    %dma_wait3A_243 = arith.constant 2 : i32
    %dma_wait3A_244 = arith.constant 256 : i32
    %dma_wait3A_245 = tpu.memref_slice %arg14[%dma_wait3A_244] : memref<512xf32, #tpu.memory_space<vmem>> -> memref<128xf32, #tpu.memory_space<vmem>>
    %dma_wait3A_246 = arith.constant 0 : i32
    %dma_wait3A_247 = tpu.memref_slice %arg10[%dma_wait3A_243, %dma_wait3A_246] : memref<4x128xi32, #tpu.memory_space<vmem>> -> memref<1x128xi32, #tpu.memory_space<vmem>>
    %dma_wait3A_248 = tpu.memref_squeeze %dma_wait3A_247 : memref<1x128xi32, #tpu.memory_space<vmem>> -> memref<128xi32, #tpu.memory_space<vmem>>
    %dma_wait3A_249 = arith.constant 0 : i32
    %dma_wait3A_250 = tpu.memref_slice %arg7[%dma_wait3A_249] : memref<1000000xf32, #tpu.memory_space<hbm>> -> memref<1000000xf32, #tpu.memory_space<hbm>>
    tpu.wait_indirect_dma semaphore(%arg17 : memref<!tpu.dma_semaphore, #tpu.memory_space<semaphore_mem>>) src(%dma_wait3A_250 : memref<1000000xf32, #tpu.memory_space<hbm>>) dst(%dma_wait3A_245 : memref<128xf32, #tpu.memory_space<vmem>>)
    %dma_wait3A_251 = arith.constant 3 : i32
    %dma_wait3A_252 = arith.constant 384 : i32
    %dma_wait3A_253 = arith.constant 0 : i32
    %dma_wait3A_254 = tpu.memref_slice %arg11[%dma_wait3A_252, %dma_wait3A_253] : memref<512x32xf32, #tpu.memory_space<vmem>> -> memref<128x32xf32, #tpu.memory_space<vmem>>
    %dma_wait3A_255 = arith.constant 0 : i32
    %dma_wait3A_256 = tpu.memref_slice %arg9[%dma_wait3A_251, %dma_wait3A_255] : memref<4x128xi32, #tpu.memory_space<vmem>> -> memref<1x128xi32, #tpu.memory_space<vmem>>
    %dma_wait3A_257 = tpu.memref_squeeze %dma_wait3A_256 : memref<1x128xi32, #tpu.memory_space<vmem>> -> memref<128xi32, #tpu.memory_space<vmem>>
    %dma_wait3A_258 = arith.constant 0 : i32
    %dma_wait3A_259 = arith.constant 0 : i32
    %dma_wait3A_260 = tpu.memref_slice %arg4[%dma_wait3A_258, %dma_wait3A_259] : memref<1000000x32xf32, #tpu.memory_space<hbm>> -> memref<1000000x32xf32, #tpu.memory_space<hbm>>
    tpu.wait_indirect_dma semaphore(%arg17 : memref<!tpu.dma_semaphore, #tpu.memory_space<semaphore_mem>>) src(%dma_wait3A_260 : memref<1000000x32xf32, #tpu.memory_space<hbm>>) dst(%dma_wait3A_254 : memref<128x32xf32, #tpu.memory_space<vmem>>)
    %dma_wait3A_261 = arith.constant 3 : i32
    %dma_wait3A_262 = arith.constant 384 : i32
    %dma_wait3A_263 = arith.constant 0 : i32
    %dma_wait3A_264 = tpu.memref_slice %arg12[%dma_wait3A_262, %dma_wait3A_263] : memref<512x32xf32, #tpu.memory_space<vmem>> -> memref<128x32xf32, #tpu.memory_space<vmem>>
    %dma_wait3A_265 = arith.constant 0 : i32
    %dma_wait3A_266 = tpu.memref_slice %arg10[%dma_wait3A_261, %dma_wait3A_265] : memref<4x128xi32, #tpu.memory_space<vmem>> -> memref<1x128xi32, #tpu.memory_space<vmem>>
    %dma_wait3A_267 = tpu.memref_squeeze %dma_wait3A_266 : memref<1x128xi32, #tpu.memory_space<vmem>> -> memref<128xi32, #tpu.memory_space<vmem>>
    %dma_wait3A_268 = arith.constant 0 : i32
    %dma_wait3A_269 = arith.constant 0 : i32
    %dma_wait3A_270 = tpu.memref_slice %arg5[%dma_wait3A_268, %dma_wait3A_269] : memref<1000000x32xf32, #tpu.memory_space<hbm>> -> memref<1000000x32xf32, #tpu.memory_space<hbm>>
    tpu.wait_indirect_dma semaphore(%arg17 : memref<!tpu.dma_semaphore, #tpu.memory_space<semaphore_mem>>) src(%dma_wait3A_270 : memref<1000000x32xf32, #tpu.memory_space<hbm>>) dst(%dma_wait3A_264 : memref<128x32xf32, #tpu.memory_space<vmem>>)
    %dma_wait3A_271 = arith.constant 3 : i32
    %dma_wait3A_272 = arith.constant 384 : i32
    %dma_wait3A_273 = tpu.memref_slice %arg13[%dma_wait3A_272] : memref<512xf32, #tpu.memory_space<vmem>> -> memref<128xf32, #tpu.memory_space<vmem>>
    %dma_wait3A_274 = arith.constant 0 : i32
    %dma_wait3A_275 = tpu.memref_slice %arg9[%dma_wait3A_271, %dma_wait3A_274] : memref<4x128xi32, #tpu.memory_space<vmem>> -> memref<1x128xi32, #tpu.memory_space<vmem>>
    %dma_wait3A_276 = tpu.memref_squeeze %dma_wait3A_275 : memref<1x128xi32, #tpu.memory_space<vmem>> -> memref<128xi32, #tpu.memory_space<vmem>>
    %dma_wait3A_277 = arith.constant 0 : i32
    %dma_wait3A_278 = tpu.memref_slice %arg6[%dma_wait3A_277] : memref<1000000xf32, #tpu.memory_space<hbm>> -> memref<1000000xf32, #tpu.memory_space<hbm>>
    tpu.wait_indirect_dma semaphore(%arg17 : memref<!tpu.dma_semaphore, #tpu.memory_space<semaphore_mem>>) src(%dma_wait3A_278 : memref<1000000xf32, #tpu.memory_space<hbm>>) dst(%dma_wait3A_273 : memref<128xf32, #tpu.memory_space<vmem>>)
    %dma_wait3A_279 = arith.constant 3 : i32
    %dma_wait3A_280 = arith.constant 384 : i32
    %dma_wait3A_281 = tpu.memref_slice %arg14[%dma_wait3A_280] : memref<512xf32, #tpu.memory_space<vmem>> -> memref<128xf32, #tpu.memory_space<vmem>>
    %dma_wait3A_282 = arith.constant 0 : i32
    %dma_wait3A_283 = tpu.memref_slice %arg10[%dma_wait3A_279, %dma_wait3A_282] : memref<4x128xi32, #tpu.memory_space<vmem>> -> memref<1x128xi32, #tpu.memory_space<vmem>>
    %dma_wait3A_284 = tpu.memref_squeeze %dma_wait3A_283 : memref<1x128xi32, #tpu.memory_space<vmem>> -> memref<128xi32, #tpu.memory_space<vmem>>
    %dma_wait3A_285 = arith.constant 0 : i32
    %dma_wait3A_286 = tpu.memref_slice %arg7[%dma_wait3A_285] : memref<1000000xf32, #tpu.memory_space<hbm>> -> memref<1000000xf32, #tpu.memory_space<hbm>>
    tpu.wait_indirect_dma semaphore(%arg17 : memref<!tpu.dma_semaphore, #tpu.memory_space<semaphore_mem>>) src(%dma_wait3A_286 : memref<1000000xf32, #tpu.memory_space<hbm>>) dst(%dma_wait3A_281 : memref<128xf32, #tpu.memory_space<vmem>>)
    %iota3A = tpu.iota {dimensions = array<i32: 0>} : vector<16xi32>
    %scan3A = arith.constant 0 : i32
    %scan3A_287 = arith.constant 0 : i32
    %scan3A_288 = arith.constant 32 : i32
    %scan3A_289 = arith.addi %scan3A_287, %scan3A_288 : i32
    %scan3A_290 = arith.constant 1 : i32
    %scan3A_291 = scf.for %scan3A_295 = %scan3A_287 to %scan3A_289 step %scan3A_290 iter_args(%scan3A_296 = %scan3A) -> (i32)  : i32 {
      %scan3A_297 = arith.constant 0 : i32
      %scan3A_298 = arith.constant 0 : i32
      %mul3A_299 = arith.constant 16 : i32
      %mul3A_300 = arith.muli %scan3A_295, %mul3A_299 : i32
      %add3A_301 = arith.addi %mul3A_300, %scan3A_298 : i32
      %get3A = arith.index_cast %add3A_301 : i32 to index
      %get3A_302 = arith.constant 0 : index
      %get3A_303 = tpu.vector_load %arg11[%get3A, %get3A_302] {strides = array<i32>} : memref<512x32xf32, #tpu.memory_space<vmem>>, vector<16xf32>,
      %get3A_304 = arith.index_cast %add3A_301 : i32 to index
      %get3A_305 = arith.constant 0 : index
      %get3A_306 = tpu.vector_load %arg12[%get3A_304, %get3A_305] {strides = array<i32>} : memref<512x32xf32, #tpu.memory_space<vmem>>, vector<16xf32>,
      %mul3A_307 = arith.mulf %get3A_303, %get3A_306 : vector<16xf32>
      %get3A_308 = arith.index_cast %add3A_301 : i32 to index
      %get3A_309 = arith.constant 16 : index
      %get3A_310 = tpu.vector_load %arg11[%get3A_308, %get3A_309] {strides = array<i32>} : memref<512x32xf32, #tpu.memory_space<vmem>>, vector<16xf32>,
      %get3A_311 = arith.index_cast %add3A_301 : i32 to index
      %get3A_312 = arith.constant 16 : index
      %get3A_313 = tpu.vector_load %arg12[%get3A_311, %get3A_312] {strides = array<i32>} : memref<512x32xf32, #tpu.memory_space<vmem>>, vector<16xf32>,
      %mul3A_314 = arith.mulf %get3A_310, %get3A_313 : vector<16xf32>
      %add3A_315 = arith.addf %mul3A_307, %mul3A_314 : vector<16xf32>
      %swap3A = arith.index_cast %scan3A_298 : i32 to index
      %swap3A_316 = arith.constant 0 : index
      %swap3A_317 = tpu.vector_load %arg15[%swap3A, %swap3A_316] {strides = array<i32>} : memref<16x16xf32, #tpu.memory_space<vmem>>, vector<16xf32>,
      tpu.vector_store %arg15[%swap3A, %swap3A_316], %add3A_315 {strides = array<i32>} : memref<16x16xf32, #tpu.memory_space<vmem>>, vector<16xf32>,
      %scan3A_318 = arith.constant 0 : i32
      %scan3A_319 = arith.constant 1 : i32
      %mul3A_320 = arith.constant 16 : i32
      %mul3A_321 = arith.muli %scan3A_295, %mul3A_320 : i32
      %add3A_322 = arith.addi %mul3A_321, %scan3A_319 : i32
      %get3A_323 = arith.index_cast %add3A_322 : i32 to index
      %get3A_324 = arith.constant 0 : index
      %get3A_325 = tpu.vector_load %arg11[%get3A_323, %get3A_324] {strides = array<i32>} : memref<512x32xf32, #tpu.memory_space<vmem>>, vector<16xf32>,
      %get3A_326 = arith.index_cast %add3A_322 : i32 to index
      %get3A_327 = arith.constant 0 : index
      %get3A_328 = tpu.vector_load %arg12[%get3A_326, %get3A_327] {strides = array<i32>} : memref<512x32xf32, #tpu.memory_space<vmem>>, vector<16xf32>,
      %mul3A_329 = arith.mulf %get3A_325, %get3A_328 : vector<16xf32>
      %get3A_330 = arith.index_cast %add3A_322 : i32 to index
      %get3A_331 = arith.constant 16 : index
      %get3A_332 = tpu.vector_load %arg11[%get3A_330, %get3A_331] {strides = array<i32>} : memref<512x32xf32, #tpu.memory_space<vmem>>, vector<16xf32>,
      %get3A_333 = arith.index_cast %add3A_322 : i32 to index
      %get3A_334 = arith.constant 16 : index
      %get3A_335 = tpu.vector_load %arg12[%get3A_333, %get3A_334] {strides = array<i32>} : memref<512x32xf32, #tpu.memory_space<vmem>>, vector<16xf32>,
      %mul3A_336 = arith.mulf %get3A_332, %get3A_335 : vector<16xf32>
      %add3A_337 = arith.addf %mul3A_329, %mul3A_336 : vector<16xf32>
      %swap3A_338 = arith.index_cast %scan3A_319 : i32 to index
      %swap3A_339 = arith.constant 0 : index
      %swap3A_340 = tpu.vector_load %arg15[%swap3A_338, %swap3A_339] {strides = array<i32>} : memref<16x16xf32, #tpu.memory_space<vmem>>, vector<16xf32>,
      tpu.vector_store %arg15[%swap3A_338, %swap3A_339], %add3A_337 {strides = array<i32>} : memref<16x16xf32, #tpu.memory_space<vmem>>, vector<16xf32>,
      %scan3A_341 = arith.constant 0 : i32
      %scan3A_342 = arith.constant 2 : i32
      %mul3A_343 = arith.constant 16 : i32
      %mul3A_344 = arith.muli %scan3A_295, %mul3A_343 : i32
      %add3A_345 = arith.addi %mul3A_344, %scan3A_342 : i32
      %get3A_346 = arith.index_cast %add3A_345 : i32 to index
      %get3A_347 = arith.constant 0 : index
      %get3A_348 = tpu.vector_load %arg11[%get3A_346, %get3A_347] {strides = array<i32>} : memref<512x32xf32, #tpu.memory_space<vmem>>, vector<16xf32>,
      %get3A_349 = arith.index_cast %add3A_345 : i32 to index
      %get3A_350 = arith.constant 0 : index
      %get3A_351 = tpu.vector_load %arg12[%get3A_349, %get3A_350] {strides = array<i32>} : memref<512x32xf32, #tpu.memory_space<vmem>>, vector<16xf32>,
      %mul3A_352 = arith.mulf %get3A_348, %get3A_351 : vector<16xf32>
      %get3A_353 = arith.index_cast %add3A_345 : i32 to index
      %get3A_354 = arith.constant 16 : index
      %get3A_355 = tpu.vector_load %arg11[%get3A_353, %get3A_354] {strides = array<i32>} : memref<512x32xf32, #tpu.memory_space<vmem>>, vector<16xf32>,
      %get3A_356 = arith.index_cast %add3A_345 : i32 to index
      %get3A_357 = arith.constant 16 : index
      %get3A_358 = tpu.vector_load %arg12[%get3A_356, %get3A_357] {strides = array<i32>} : memref<512x32xf32, #tpu.memory_space<vmem>>, vector<16xf32>,
      %mul3A_359 = arith.mulf %get3A_355, %get3A_358 : vector<16xf32>
      %add3A_360 = arith.addf %mul3A_352, %mul3A_359 : vector<16xf32>
      %swap3A_361 = arith.index_cast %scan3A_342 : i32 to index
      %swap3A_362 = arith.constant 0 : index
      %swap3A_363 = tpu.vector_load %arg15[%swap3A_361, %swap3A_362] {strides = array<i32>} : memref<16x16xf32, #tpu.memory_space<vmem>>, vector<16xf32>,
      tpu.vector_store %arg15[%swap3A_361, %swap3A_362], %add3A_360 {strides = array<i32>} : memref<16x16xf32, #tpu.memory_space<vmem>>, vector<16xf32>,
      %scan3A_364 = arith.constant 0 : i32
      %scan3A_365 = arith.constant 3 : i32
      %mul3A_366 = arith.constant 16 : i32
      %mul3A_367 = arith.muli %scan3A_295, %mul3A_366 : i32
      %add3A_368 = arith.addi %mul3A_367, %scan3A_365 : i32
      %get3A_369 = arith.index_cast %add3A_368 : i32 to index
      %get3A_370 = arith.constant 0 : index
      %get3A_371 = tpu.vector_load %arg11[%get3A_369, %get3A_370] {strides = array<i32>} : memref<512x32xf32, #tpu.memory_space<vmem>>, vector<16xf32>,
      %get3A_372 = arith.index_cast %add3A_368 : i32 to index
      %get3A_373 = arith.constant 0 : index
      %get3A_374 = tpu.vector_load %arg12[%get3A_372, %get3A_373] {strides = array<i32>} : memref<512x32xf32, #tpu.memory_space<vmem>>, vector<16xf32>,
      %mul3A_375 = arith.mulf %get3A_371, %get3A_374 : vector<16xf32>
      %get3A_376 = arith.index_cast %add3A_368 : i32 to index
      %get3A_377 = arith.constant 16 : index
      %get3A_378 = tpu.vector_load %arg11[%get3A_376, %get3A_377] {strides = array<i32>} : memref<512x32xf32, #tpu.memory_space<vmem>>, vector<16xf32>,
      %get3A_379 = arith.index_cast %add3A_368 : i32 to index
      %get3A_380 = arith.constant 16 : index
      %get3A_381 = tpu.vector_load %arg12[%get3A_379, %get3A_380] {strides = array<i32>} : memref<512x32xf32, #tpu.memory_space<vmem>>, vector<16xf32>,
      %mul3A_382 = arith.mulf %get3A_378, %get3A_381 : vector<16xf32>
      %add3A_383 = arith.addf %mul3A_375, %mul3A_382 : vector<16xf32>
      %swap3A_384 = arith.index_cast %scan3A_365 : i32 to index
      %swap3A_385 = arith.constant 0 : index
      %swap3A_386 = tpu.vector_load %arg15[%swap3A_384, %swap3A_385] {strides = array<i32>} : memref<16x16xf32, #tpu.memory_space<vmem>>, vector<16xf32>,
      tpu.vector_store %arg15[%swap3A_384, %swap3A_385], %add3A_383 {strides = array<i32>} : memref<16x16xf32, #tpu.memory_space<vmem>>, vector<16xf32>,
      %scan3A_387 = arith.constant 0 : i32
      %scan3A_388 = arith.constant 4 : i32
      %mul3A_389 = arith.constant 16 : i32
      %mul3A_390 = arith.muli %scan3A_295, %mul3A_389 : i32
      %add3A_391 = arith.addi %mul3A_390, %scan3A_388 : i32
      %get3A_392 = arith.index_cast %add3A_391 : i32 to index
      %get3A_393 = arith.constant 0 : index
      %get3A_394 = tpu.vector_load %arg11[%get3A_392, %get3A_393] {strides = array<i32>} : memref<512x32xf32, #tpu.memory_space<vmem>>, vector<16xf32>,
      %get3A_395 = arith.index_cast %add3A_391 : i32 to index
      %get3A_396 = arith.constant 0 : index
      %get3A_397 = tpu.vector_load %arg12[%get3A_395, %get3A_396] {strides = array<i32>} : memref<512x32xf32, #tpu.memory_space<vmem>>, vector<16xf32>,
      %mul3A_398 = arith.mulf %get3A_394, %get3A_397 : vector<16xf32>
      %get3A_399 = arith.index_cast %add3A_391 : i32 to index
      %get3A_400 = arith.constant 16 : index
      %get3A_401 = tpu.vector_load %arg11[%get3A_399, %get3A_400] {strides = array<i32>} : memref<512x32xf32, #tpu.memory_space<vmem>>, vector<16xf32>,
      %get3A_402 = arith.index_cast %add3A_391 : i32 to index
      %get3A_403 = arith.constant 16 : index
      %get3A_404 = tpu.vector_load %arg12[%get3A_402, %get3A_403] {strides = array<i32>} : memref<512x32xf32, #tpu.memory_space<vmem>>, vector<16xf32>,
      %mul3A_405 = arith.mulf %get3A_401, %get3A_404 : vector<16xf32>
      %add3A_406 = arith.addf %mul3A_398, %mul3A_405 : vector<16xf32>
      %swap3A_407 = arith.index_cast %scan3A_388 : i32 to index
      %swap3A_408 = arith.constant 0 : index
      %swap3A_409 = tpu.vector_load %arg15[%swap3A_407, %swap3A_408] {strides = array<i32>} : memref<16x16xf32, #tpu.memory_space<vmem>>, vector<16xf32>,
      tpu.vector_store %arg15[%swap3A_407, %swap3A_408], %add3A_406 {strides = array<i32>} : memref<16x16xf32, #tpu.memory_space<vmem>>, vector<16xf32>,
      %scan3A_410 = arith.constant 0 : i32
      %scan3A_411 = arith.constant 5 : i32
      %mul3A_412 = arith.constant 16 : i32
      %mul3A_413 = arith.muli %scan3A_295, %mul3A_412 : i32
      %add3A_414 = arith.addi %mul3A_413, %scan3A_411 : i32
      %get3A_415 = arith.index_cast %add3A_414 : i32 to index
      %get3A_416 = arith.constant 0 : index
      %get3A_417 = tpu.vector_load %arg11[%get3A_415, %get3A_416] {strides = array<i32>} : memref<512x32xf32, #tpu.memory_space<vmem>>, vector<16xf32>,
      %get3A_418 = arith.index_cast %add3A_414 : i32 to index
      %get3A_419 = arith.constant 0 : index
      %get3A_420 = tpu.vector_load %arg12[%get3A_418, %get3A_419] {strides = array<i32>} : memref<512x32xf32, #tpu.memory_space<vmem>>, vector<16xf32>,
      %mul3A_421 = arith.mulf %get3A_417, %get3A_420 : vector<16xf32>
      %get3A_422 = arith.index_cast %add3A_414 : i32 to index
      %get3A_423 = arith.constant 16 : index
      %get3A_424 = tpu.vector_load %arg11[%get3A_422, %get3A_423] {strides = array<i32>} : memref<512x32xf32, #tpu.memory_space<vmem>>, vector<16xf32>,
      %get3A_425 = arith.index_cast %add3A_414 : i32 to index
      %get3A_426 = arith.constant 16 : index
      %get3A_427 = tpu.vector_load %arg12[%get3A_425, %get3A_426] {strides = array<i32>} : memref<512x32xf32, #tpu.memory_space<vmem>>, vector<16xf32>,
      %mul3A_428 = arith.mulf %get3A_424, %get3A_427 : vector<16xf32>
      %add3A_429 = arith.addf %mul3A_421, %mul3A_428 : vector<16xf32>
      %swap3A_430 = arith.index_cast %scan3A_411 : i32 to index
      %swap3A_431 = arith.constant 0 : index
      %swap3A_432 = tpu.vector_load %arg15[%swap3A_430, %swap3A_431] {strides = array<i32>} : memref<16x16xf32, #tpu.memory_space<vmem>>, vector<16xf32>,
      tpu.vector_store %arg15[%swap3A_430, %swap3A_431], %add3A_429 {strides = array<i32>} : memref<16x16xf32, #tpu.memory_space<vmem>>, vector<16xf32>,
      %scan3A_433 = arith.constant 0 : i32
      %scan3A_434 = arith.constant 6 : i32
      %mul3A_435 = arith.constant 16 : i32
      %mul3A_436 = arith.muli %scan3A_295, %mul3A_435 : i32
      %add3A_437 = arith.addi %mul3A_436, %scan3A_434 : i32
      %get3A_438 = arith.index_cast %add3A_437 : i32 to index
      %get3A_439 = arith.constant 0 : index
      %get3A_440 = tpu.vector_load %arg11[%get3A_438, %get3A_439] {strides = array<i32>} : memref<512x32xf32, #tpu.memory_space<vmem>>, vector<16xf32>,
      %get3A_441 = arith.index_cast %add3A_437 : i32 to index
      %get3A_442 = arith.constant 0 : index
      %get3A_443 = tpu.vector_load %arg12[%get3A_441, %get3A_442] {strides = array<i32>} : memref<512x32xf32, #tpu.memory_space<vmem>>, vector<16xf32>,
      %mul3A_444 = arith.mulf %get3A_440, %get3A_443 : vector<16xf32>
      %get3A_445 = arith.index_cast %add3A_437 : i32 to index
      %get3A_446 = arith.constant 16 : index
      %get3A_447 = tpu.vector_load %arg11[%get3A_445, %get3A_446] {strides = array<i32>} : memref<512x32xf32, #tpu.memory_space<vmem>>, vector<16xf32>,
      %get3A_448 = arith.index_cast %add3A_437 : i32 to index
      %get3A_449 = arith.constant 16 : index
      %get3A_450 = tpu.vector_load %arg12[%get3A_448, %get3A_449] {strides = array<i32>} : memref<512x32xf32, #tpu.memory_space<vmem>>, vector<16xf32>,
      %mul3A_451 = arith.mulf %get3A_447, %get3A_450 : vector<16xf32>
      %add3A_452 = arith.addf %mul3A_444, %mul3A_451 : vector<16xf32>
      %swap3A_453 = arith.index_cast %scan3A_434 : i32 to index
      %swap3A_454 = arith.constant 0 : index
      %swap3A_455 = tpu.vector_load %arg15[%swap3A_453, %swap3A_454] {strides = array<i32>} : memref<16x16xf32, #tpu.memory_space<vmem>>, vector<16xf32>,
      tpu.vector_store %arg15[%swap3A_453, %swap3A_454], %add3A_452 {strides = array<i32>} : memref<16x16xf32, #tpu.memory_space<vmem>>, vector<16xf32>,
      %scan3A_456 = arith.constant 0 : i32
      %scan3A_457 = arith.constant 7 : i32
      %mul3A_458 = arith.constant 16 : i32
      %mul3A_459 = arith.muli %scan3A_295, %mul3A_458 : i32
      %add3A_460 = arith.addi %mul3A_459, %scan3A_457 : i32
      %get3A_461 = arith.index_cast %add3A_460 : i32 to index
      %get3A_462 = arith.constant 0 : index
      %get3A_463 = tpu.vector_load %arg11[%get3A_461, %get3A_462] {strides = array<i32>} : memref<512x32xf32, #tpu.memory_space<vmem>>, vector<16xf32>,
      %get3A_464 = arith.index_cast %add3A_460 : i32 to index
      %get3A_465 = arith.constant 0 : index
      %get3A_466 = tpu.vector_load %arg12[%get3A_464, %get3A_465] {strides = array<i32>} : memref<512x32xf32, #tpu.memory_space<vmem>>, vector<16xf32>,
      %mul3A_467 = arith.mulf %get3A_463, %get3A_466 : vector<16xf32>
      %get3A_468 = arith.index_cast %add3A_460 : i32 to index
      %get3A_469 = arith.constant 16 : index
      %get3A_470 = tpu.vector_load %arg11[%get3A_468, %get3A_469] {strides = array<i32>} : memref<512x32xf32, #tpu.memory_space<vmem>>, vector<16xf32>,
      %get3A_471 = arith.index_cast %add3A_460 : i32 to index
      %get3A_472 = arith.constant 16 : index
      %get3A_473 = tpu.vector_load %arg12[%get3A_471, %get3A_472] {strides = array<i32>} : memref<512x32xf32, #tpu.memory_space<vmem>>, vector<16xf32>,
      %mul3A_474 = arith.mulf %get3A_470, %get3A_473 : vector<16xf32>
      %add3A_475 = arith.addf %mul3A_467, %mul3A_474 : vector<16xf32>
      %swap3A_476 = arith.index_cast %scan3A_457 : i32 to index
      %swap3A_477 = arith.constant 0 : index
      %swap3A_478 = tpu.vector_load %arg15[%swap3A_476, %swap3A_477] {strides = array<i32>} : memref<16x16xf32, #tpu.memory_space<vmem>>, vector<16xf32>,
      tpu.vector_store %arg15[%swap3A_476, %swap3A_477], %add3A_475 {strides = array<i32>} : memref<16x16xf32, #tpu.memory_space<vmem>>, vector<16xf32>,
      %scan3A_479 = arith.constant 0 : i32
      %scan3A_480 = arith.constant 8 : i32
      %mul3A_481 = arith.constant 16 : i32
      %mul3A_482 = arith.muli %scan3A_295, %mul3A_481 : i32
      %add3A_483 = arith.addi %mul3A_482, %scan3A_480 : i32
      %get3A_484 = arith.index_cast %add3A_483 : i32 to index
      %get3A_485 = arith.constant 0 : index
      %get3A_486 = tpu.vector_load %arg11[%get3A_484, %get3A_485] {strides = array<i32>} : memref<512x32xf32, #tpu.memory_space<vmem>>, vector<16xf32>,
      %get3A_487 = arith.index_cast %add3A_483 : i32 to index
      %get3A_488 = arith.constant 0 : index
      %get3A_489 = tpu.vector_load %arg12[%get3A_487, %get3A_488] {strides = array<i32>} : memref<512x32xf32, #tpu.memory_space<vmem>>, vector<16xf32>,
      %mul3A_490 = arith.mulf %get3A_486, %get3A_489 : vector<16xf32>
      %get3A_491 = arith.index_cast %add3A_483 : i32 to index
      %get3A_492 = arith.constant 16 : index
      %get3A_493 = tpu.vector_load %arg11[%get3A_491, %get3A_492] {strides = array<i32>} : memref<512x32xf32, #tpu.memory_space<vmem>>, vector<16xf32>,
      %get3A_494 = arith.index_cast %add3A_483 : i32 to index
      %get3A_495 = arith.constant 16 : index
      %get3A_496 = tpu.vector_load %arg12[%get3A_494, %get3A_495] {strides = array<i32>} : memref<512x32xf32, #tpu.memory_space<vmem>>, vector<16xf32>,
      %mul3A_497 = arith.mulf %get3A_493, %get3A_496 : vector<16xf32>
      %add3A_498 = arith.addf %mul3A_490, %mul3A_497 : vector<16xf32>
      %swap3A_499 = arith.index_cast %scan3A_480 : i32 to index
      %swap3A_500 = arith.constant 0 : index
      %swap3A_501 = tpu.vector_load %arg15[%swap3A_499, %swap3A_500] {strides = array<i32>} : memref<16x16xf32, #tpu.memory_space<vmem>>, vector<16xf32>,
      tpu.vector_store %arg15[%swap3A_499, %swap3A_500], %add3A_498 {strides = array<i32>} : memref<16x16xf32, #tpu.memory_space<vmem>>, vector<16xf32>,
      %scan3A_502 = arith.constant 0 : i32
      %scan3A_503 = arith.constant 9 : i32
      %mul3A_504 = arith.constant 16 : i32
      %mul3A_505 = arith.muli %scan3A_295, %mul3A_504 : i32
      %add3A_506 = arith.addi %mul3A_505, %scan3A_503 : i32
      %get3A_507 = arith.index_cast %add3A_506 : i32 to index
      %get3A_508 = arith.constant 0 : index
      %get3A_509 = tpu.vector_load %arg11[%get3A_507, %get3A_508] {strides = array<i32>} : memref<512x32xf32, #tpu.memory_space<vmem>>, vector<16xf32>,
      %get3A_510 = arith.index_cast %add3A_506 : i32 to index
      %get3A_511 = arith.constant 0 : index
      %get3A_512 = tpu.vector_load %arg12[%get3A_510, %get3A_511] {strides = array<i32>} : memref<512x32xf32, #tpu.memory_space<vmem>>, vector<16xf32>,
      %mul3A_513 = arith.mulf %get3A_509, %get3A_512 : vector<16xf32>
      %get3A_514 = arith.index_cast %add3A_506 : i32 to index
      %get3A_515 = arith.constant 16 : index
      %get3A_516 = tpu.vector_load %arg11[%get3A_514, %get3A_515] {strides = array<i32>} : memref<512x32xf32, #tpu.memory_space<vmem>>, vector<16xf32>,
      %get3A_517 = arith.index_cast %add3A_506 : i32 to index
      %get3A_518 = arith.constant 16 : index
      %get3A_519 = tpu.vector_load %arg12[%get3A_517, %get3A_518] {strides = array<i32>} : memref<512x32xf32, #tpu.memory_space<vmem>>, vector<16xf32>,
      %mul3A_520 = arith.mulf %get3A_516, %get3A_519 : vector<16xf32>
      %add3A_521 = arith.addf %mul3A_513, %mul3A_520 : vector<16xf32>
      %swap3A_522 = arith.index_cast %scan3A_503 : i32 to index
      %swap3A_523 = arith.constant 0 : index
      %swap3A_524 = tpu.vector_load %arg15[%swap3A_522, %swap3A_523] {strides = array<i32>} : memref<16x16xf32, #tpu.memory_space<vmem>>, vector<16xf32>,
      tpu.vector_store %arg15[%swap3A_522, %swap3A_523], %add3A_521 {strides = array<i32>} : memref<16x16xf32, #tpu.memory_space<vmem>>, vector<16xf32>,
      %scan3A_525 = arith.constant 0 : i32
      %scan3A_526 = arith.constant 10 : i32
      %mul3A_527 = arith.constant 16 : i32
      %mul3A_528 = arith.muli %scan3A_295, %mul3A_527 : i32
      %add3A_529 = arith.addi %mul3A_528, %scan3A_526 : i32
      %get3A_530 = arith.index_cast %add3A_529 : i32 to index
      %get3A_531 = arith.constant 0 : index
      %get3A_532 = tpu.vector_load %arg11[%get3A_530, %get3A_531] {strides = array<i32>} : memref<512x32xf32, #tpu.memory_space<vmem>>, vector<16xf32>,
      %get3A_533 = arith.index_cast %add3A_529 : i32 to index
      %get3A_534 = arith.constant 0 : index
      %get3A_535 = tpu.vector_load %arg12[%get3A_533, %get3A_534] {strides = array<i32>} : memref<512x32xf32, #tpu.memory_space<vmem>>, vector<16xf32>,
      %mul3A_536 = arith.mulf %get3A_532, %get3A_535 : vector<16xf32>
      %get3A_537 = arith.index_cast %add3A_529 : i32 to index
      %get3A_538 = arith.constant 16 : index
      %get3A_539 = tpu.vector_load %arg11[%get3A_537, %get3A_538] {strides = array<i32>} : memref<512x32xf32, #tpu.memory_space<vmem>>, vector<16xf32>,
      %get3A_540 = arith.index_cast %add3A_529 : i32 to index
      %get3A_541 = arith.constant 16 : index
      %get3A_542 = tpu.vector_load %arg12[%get3A_540, %get3A_541] {strides = array<i32>} : memref<512x32xf32, #tpu.memory_space<vmem>>, vector<16xf32>,
      %mul3A_543 = arith.mulf %get3A_539, %get3A_542 : vector<16xf32>
      %add3A_544 = arith.addf %mul3A_536, %mul3A_543 : vector<16xf32>
      %swap3A_545 = arith.index_cast %scan3A_526 : i32 to index
      %swap3A_546 = arith.constant 0 : index
      %swap3A_547 = tpu.vector_load %arg15[%swap3A_545, %swap3A_546] {strides = array<i32>} : memref<16x16xf32, #tpu.memory_space<vmem>>, vector<16xf32>,
      tpu.vector_store %arg15[%swap3A_545, %swap3A_546], %add3A_544 {strides = array<i32>} : memref<16x16xf32, #tpu.memory_space<vmem>>, vector<16xf32>,
      %scan3A_548 = arith.constant 0 : i32
      %scan3A_549 = arith.constant 11 : i32
      %mul3A_550 = arith.constant 16 : i32
      %mul3A_551 = arith.muli %scan3A_295, %mul3A_550 : i32
      %add3A_552 = arith.addi %mul3A_551, %scan3A_549 : i32
      %get3A_553 = arith.index_cast %add3A_552 : i32 to index
      %get3A_554 = arith.constant 0 : index
      %get3A_555 = tpu.vector_load %arg11[%get3A_553, %get3A_554] {strides = array<i32>} : memref<512x32xf32, #tpu.memory_space<vmem>>, vector<16xf32>,
      %get3A_556 = arith.index_cast %add3A_552 : i32 to index
      %get3A_557 = arith.constant 0 : index
      %get3A_558 = tpu.vector_load %arg12[%get3A_556, %get3A_557] {strides = array<i32>} : memref<512x32xf32, #tpu.memory_space<vmem>>, vector<16xf32>,
      %mul3A_559 = arith.mulf %get3A_555, %get3A_558 : vector<16xf32>
      %get3A_560 = arith.index_cast %add3A_552 : i32 to index
      %get3A_561 = arith.constant 16 : index
      %get3A_562 = tpu.vector_load %arg11[%get3A_560, %get3A_561] {strides = array<i32>} : memref<512x32xf32, #tpu.memory_space<vmem>>, vector<16xf32>,
      %get3A_563 = arith.index_cast %add3A_552 : i32 to index
      %get3A_564 = arith.constant 16 : index
      %get3A_565 = tpu.vector_load %arg12[%get3A_563, %get3A_564] {strides = array<i32>} : memref<512x32xf32, #tpu.memory_space<vmem>>, vector<16xf32>,
      %mul3A_566 = arith.mulf %get3A_562, %get3A_565 : vector<16xf32>
      %add3A_567 = arith.addf %mul3A_559, %mul3A_566 : vector<16xf32>
      %swap3A_568 = arith.index_cast %scan3A_549 : i32 to index
      %swap3A_569 = arith.constant 0 : index
      %swap3A_570 = tpu.vector_load %arg15[%swap3A_568, %swap3A_569] {strides = array<i32>} : memref<16x16xf32, #tpu.memory_space<vmem>>, vector<16xf32>,
      tpu.vector_store %arg15[%swap3A_568, %swap3A_569], %add3A_567 {strides = array<i32>} : memref<16x16xf32, #tpu.memory_space<vmem>>, vector<16xf32>,
      %scan3A_571 = arith.constant 0 : i32
      %scan3A_572 = arith.constant 12 : i32
      %mul3A_573 = arith.constant 16 : i32
      %mul3A_574 = arith.muli %scan3A_295, %mul3A_573 : i32
      %add3A_575 = arith.addi %mul3A_574, %scan3A_572 : i32
      %get3A_576 = arith.index_cast %add3A_575 : i32 to index
      %get3A_577 = arith.constant 0 : index
      %get3A_578 = tpu.vector_load %arg11[%get3A_576, %get3A_577] {strides = array<i32>} : memref<512x32xf32, #tpu.memory_space<vmem>>, vector<16xf32>,
      %get3A_579 = arith.index_cast %add3A_575 : i32 to index
      %get3A_580 = arith.constant 0 : index
      %get3A_581 = tpu.vector_load %arg12[%get3A_579, %get3A_580] {strides = array<i32>} : memref<512x32xf32, #tpu.memory_space<vmem>>, vector<16xf32>,
      %mul3A_582 = arith.mulf %get3A_578, %get3A_581 : vector<16xf32>
      %get3A_583 = arith.index_cast %add3A_575 : i32 to index
      %get3A_584 = arith.constant 16 : index
      %get3A_585 = tpu.vector_load %arg11[%get3A_583, %get3A_584] {strides = array<i32>} : memref<512x32xf32, #tpu.memory_space<vmem>>, vector<16xf32>,
      %get3A_586 = arith.index_cast %add3A_575 : i32 to index
      %get3A_587 = arith.constant 16 : index
      %get3A_588 = tpu.vector_load %arg12[%get3A_586, %get3A_587] {strides = array<i32>} : memref<512x32xf32, #tpu.memory_space<vmem>>, vector<16xf32>,
      %mul3A_589 = arith.mulf %get3A_585, %get3A_588 : vector<16xf32>
      %add3A_590 = arith.addf %mul3A_582, %mul3A_589 : vector<16xf32>
      %swap3A_591 = arith.index_cast %scan3A_572 : i32 to index
      %swap3A_592 = arith.constant 0 : index
      %swap3A_593 = tpu.vector_load %arg15[%swap3A_591, %swap3A_592] {strides = array<i32>} : memref<16x16xf32, #tpu.memory_space<vmem>>, vector<16xf32>,
      tpu.vector_store %arg15[%swap3A_591, %swap3A_592], %add3A_590 {strides = array<i32>} : memref<16x16xf32, #tpu.memory_space<vmem>>, vector<16xf32>,
      %scan3A_594 = arith.constant 0 : i32
      %scan3A_595 = arith.constant 13 : i32
      %mul3A_596 = arith.constant 16 : i32
      %mul3A_597 = arith.muli %scan3A_295, %mul3A_596 : i32
      %add3A_598 = arith.addi %mul3A_597, %scan3A_595 : i32
      %get3A_599 = arith.index_cast %add3A_598 : i32 to index
      %get3A_600 = arith.constant 0 : index
      %get3A_601 = tpu.vector_load %arg11[%get3A_599, %get3A_600] {strides = array<i32>} : memref<512x32xf32, #tpu.memory_space<vmem>>, vector<16xf32>,
      %get3A_602 = arith.index_cast %add3A_598 : i32 to index
      %get3A_603 = arith.constant 0 : index
      %get3A_604 = tpu.vector_load %arg12[%get3A_602, %get3A_603] {strides = array<i32>} : memref<512x32xf32, #tpu.memory_space<vmem>>, vector<16xf32>,
      %mul3A_605 = arith.mulf %get3A_601, %get3A_604 : vector<16xf32>
      %get3A_606 = arith.index_cast %add3A_598 : i32 to index
      %get3A_607 = arith.constant 16 : index
      %get3A_608 = tpu.vector_load %arg11[%get3A_606, %get3A_607] {strides = array<i32>} : memref<512x32xf32, #tpu.memory_space<vmem>>, vector<16xf32>,
      %get3A_609 = arith.index_cast %add3A_598 : i32 to index
      %get3A_610 = arith.constant 16 : index
      %get3A_611 = tpu.vector_load %arg12[%get3A_609, %get3A_610] {strides = array<i32>} : memref<512x32xf32, #tpu.memory_space<vmem>>, vector<16xf32>,
      %mul3A_612 = arith.mulf %get3A_608, %get3A_611 : vector<16xf32>
      %add3A_613 = arith.addf %mul3A_605, %mul3A_612 : vector<16xf32>
      %swap3A_614 = arith.index_cast %scan3A_595 : i32 to index
      %swap3A_615 = arith.constant 0 : index
      %swap3A_616 = tpu.vector_load %arg15[%swap3A_614, %swap3A_615] {strides = array<i32>} : memref<16x16xf32, #tpu.memory_space<vmem>>, vector<16xf32>,
      tpu.vector_store %arg15[%swap3A_614, %swap3A_615], %add3A_613 {strides = array<i32>} : memref<16x16xf32, #tpu.memory_space<vmem>>, vector<16xf32>,
      %scan3A_617 = arith.constant 0 : i32
      %scan3A_618 = arith.constant 14 : i32
      %mul3A_619 = arith.constant 16 : i32
      %mul3A_620 = arith.muli %scan3A_295, %mul3A_619 : i32
      %add3A_621 = arith.addi %mul3A_620, %scan3A_618 : i32
      %get3A_622 = arith.index_cast %add3A_621 : i32 to index
      %get3A_623 = arith.constant 0 : index
      %get3A_624 = tpu.vector_load %arg11[%get3A_622, %get3A_623] {strides = array<i32>} : memref<512x32xf32, #tpu.memory_space<vmem>>, vector<16xf32>,
      %get3A_625 = arith.index_cast %add3A_621 : i32 to index
      %get3A_626 = arith.constant 0 : index
      %get3A_627 = tpu.vector_load %arg12[%get3A_625, %get3A_626] {strides = array<i32>} : memref<512x32xf32, #tpu.memory_space<vmem>>, vector<16xf32>,
      %mul3A_628 = arith.mulf %get3A_624, %get3A_627 : vector<16xf32>
      %get3A_629 = arith.index_cast %add3A_621 : i32 to index
      %get3A_630 = arith.constant 16 : index
      %get3A_631 = tpu.vector_load %arg11[%get3A_629, %get3A_630] {strides = array<i32>} : memref<512x32xf32, #tpu.memory_space<vmem>>, vector<16xf32>,
      %get3A_632 = arith.index_cast %add3A_621 : i32 to index
      %get3A_633 = arith.constant 16 : index
      %get3A_634 = tpu.vector_load %arg12[%get3A_632, %get3A_633] {strides = array<i32>} : memref<512x32xf32, #tpu.memory_space<vmem>>, vector<16xf32>,
      %mul3A_635 = arith.mulf %get3A_631, %get3A_634 : vector<16xf32>
      %add3A_636 = arith.addf %mul3A_628, %mul3A_635 : vector<16xf32>
      %swap3A_637 = arith.index_cast %scan3A_618 : i32 to index
      %swap3A_638 = arith.constant 0 : index
      %swap3A_639 = tpu.vector_load %arg15[%swap3A_637, %swap3A_638] {strides = array<i32>} : memref<16x16xf32, #tpu.memory_space<vmem>>, vector<16xf32>,
      tpu.vector_store %arg15[%swap3A_637, %swap3A_638], %add3A_636 {strides = array<i32>} : memref<16x16xf32, #tpu.memory_space<vmem>>, vector<16xf32>,
      %scan3A_640 = arith.constant 0 : i32
      %scan3A_641 = arith.constant 15 : i32
      %mul3A_642 = arith.constant 16 : i32
      %mul3A_643 = arith.muli %scan3A_295, %mul3A_642 : i32
      %add3A_644 = arith.addi %mul3A_643, %scan3A_641 : i32
      %get3A_645 = arith.index_cast %add3A_644 : i32 to index
      %get3A_646 = arith.constant 0 : index
      %get3A_647 = tpu.vector_load %arg11[%get3A_645, %get3A_646] {strides = array<i32>} : memref<512x32xf32, #tpu.memory_space<vmem>>, vector<16xf32>,
      %get3A_648 = arith.index_cast %add3A_644 : i32 to index
      %get3A_649 = arith.constant 0 : index
      %get3A_650 = tpu.vector_load %arg12[%get3A_648, %get3A_649] {strides = array<i32>} : memref<512x32xf32, #tpu.memory_space<vmem>>, vector<16xf32>,
      %mul3A_651 = arith.mulf %get3A_647, %get3A_650 : vector<16xf32>
      %get3A_652 = arith.index_cast %add3A_644 : i32 to index
      %get3A_653 = arith.constant 16 : index
      %get3A_654 = tpu.vector_load %arg11[%get3A_652, %get3A_653] {strides = array<i32>} : memref<512x32xf32, #tpu.memory_space<vmem>>, vector<16xf32>,
      %get3A_655 = arith.index_cast %add3A_644 : i32 to index
      %get3A_656 = arith.constant 16 : index
      %get3A_657 = tpu.vector_load %arg12[%get3A_655, %get3A_656] {strides = array<i32>} : memref<512x32xf32, #tpu.memory_space<vmem>>, vector<16xf32>,
      %mul3A_658 = arith.mulf %get3A_654, %get3A_657 : vector<16xf32>
      %add3A_659 = arith.addf %mul3A_651, %mul3A_658 : vector<16xf32>
      %swap3A_660 = arith.index_cast %scan3A_641 : i32 to index
      %swap3A_661 = arith.constant 0 : index
      %swap3A_662 = tpu.vector_load %arg15[%swap3A_660, %swap3A_661] {strides = array<i32>} : memref<16x16xf32, #tpu.memory_space<vmem>>, vector<16xf32>,
      tpu.vector_store %arg15[%swap3A_660, %swap3A_661], %add3A_659 {strides = array<i32>} : memref<16x16xf32, #tpu.memory_space<vmem>>, vector<16xf32>,
      %scan3A_663 = arith.constant 0 : i32
      %scan3A_664 = arith.constant 16 : i32
      %mul3A_665 = arith.constant 16 : i32
      %mul3A_666 = arith.muli %scan3A_295, %mul3A_665 : i32
      %get3A_667 = arith.index_cast %mul3A_666 : i32 to index
      %get3A_668 = tpu.vector_load %arg13[%get3A_667] {strides = array<i32>} : memref<512xf32, #tpu.memory_space<vmem>>, vector<16xf32>,
      %mul3A_669 = arith.constant 16 : i32
      %mul3A_670 = arith.muli %scan3A_295, %mul3A_669 : i32
      %get3A_671 = arith.index_cast %mul3A_670 : i32 to index
      %get3A_672 = tpu.vector_load %arg14[%get3A_671] {strides = array<i32>} : memref<512xf32, #tpu.memory_space<vmem>>, vector<16xf32>,
      %add3A_673 = arith.addf %get3A_668, %get3A_672 : vector<16xf32>
      %scan3A_674 = arith.constant 0 : i32
      %broadcast_in_dim3A = arith.constant 0 : i32
      %broadcast_in_dim3A_675 = vector.broadcast %broadcast_in_dim3A : i32 to vector<16xi32>
      %add3A_676 = vector.broadcast %scan3A_674 : i32 to vector<16xi32>
      %add3A_677 = arith.addi %broadcast_in_dim3A_675, %add3A_676 : vector<16xi32>
      %gather3A = tpu.vector_load_idx %arg15[%iota3A, %add3A_677] : memref<16x16xf32, #tpu.memory_space<vmem>>[vector<16xi32>, vector<16xi32>], vector<16xf32>,
      %add3A_678 = arith.addf %add3A_673, %gather3A : vector<16xf32>
      %scan3A_679 = arith.constant 1 : i32
      %broadcast_in_dim3A_680 = arith.constant 0 : i32
      %broadcast_in_dim3A_681 = vector.broadcast %broadcast_in_dim3A_680 : i32 to vector<16xi32>
      %add3A_682 = vector.broadcast %scan3A_679 : i32 to vector<16xi32>
      %add3A_683 = arith.addi %broadcast_in_dim3A_681, %add3A_682 : vector<16xi32>
      %gather3A_684 = tpu.vector_load_idx %arg15[%iota3A, %add3A_683] : memref<16x16xf32, #tpu.memory_space<vmem>>[vector<16xi32>, vector<16xi32>], vector<16xf32>,
      %add3A_685 = arith.addf %add3A_678, %gather3A_684 : vector<16xf32>
      %scan3A_686 = arith.constant 2 : i32
      %broadcast_in_dim3A_687 = arith.constant 0 : i32
      %broadcast_in_dim3A_688 = vector.broadcast %broadcast_in_dim3A_687 : i32 to vector<16xi32>
      %add3A_689 = vector.broadcast %scan3A_686 : i32 to vector<16xi32>
      %add3A_690 = arith.addi %broadcast_in_dim3A_688, %add3A_689 : vector<16xi32>
      %gather3A_691 = tpu.vector_load_idx %arg15[%iota3A, %add3A_690] : memref<16x16xf32, #tpu.memory_space<vmem>>[vector<16xi32>, vector<16xi32>], vector<16xf32>,
      %add3A_692 = arith.addf %add3A_685, %gather3A_691 : vector<16xf32>
      %scan3A_693 = arith.constant 3 : i32
      %broadcast_in_dim3A_694 = arith.constant 0 : i32
      %broadcast_in_dim3A_695 = vector.broadcast %broadcast_in_dim3A_694 : i32 to vector<16xi32>
      %add3A_696 = vector.broadcast %scan3A_693 : i32 to vector<16xi32>
      %add3A_697 = arith.addi %broadcast_in_dim3A_695, %add3A_696 : vector<16xi32>
      %gather3A_698 = tpu.vector_load_idx %arg15[%iota3A, %add3A_697] : memref<16x16xf32, #tpu.memory_space<vmem>>[vector<16xi32>, vector<16xi32>], vector<16xf32>,
      %add3A_699 = arith.addf %add3A_692, %gather3A_698 : vector<16xf32>
      %scan3A_700 = arith.constant 4 : i32
      %broadcast_in_dim3A_701 = arith.constant 0 : i32
      %broadcast_in_dim3A_702 = vector.broadcast %broadcast_in_dim3A_701 : i32 to vector<16xi32>
      %add3A_703 = vector.broadcast %scan3A_700 : i32 to vector<16xi32>
      %add3A_704 = arith.addi %broadcast_in_dim3A_702, %add3A_703 : vector<16xi32>
      %gather3A_705 = tpu.vector_load_idx %arg15[%iota3A, %add3A_704] : memref<16x16xf32, #tpu.memory_space<vmem>>[vector<16xi32>, vector<16xi32>], vector<16xf32>,
      %add3A_706 = arith.addf %add3A_699, %gather3A_705 : vector<16xf32>
      %scan3A_707 = arith.constant 5 : i32
      %broadcast_in_dim3A_708 = arith.constant 0 : i32
      %broadcast_in_dim3A_709 = vector.broadcast %broadcast_in_dim3A_708 : i32 to vector<16xi32>
      %add3A_710 = vector.broadcast %scan3A_707 : i32 to vector<16xi32>
      %add3A_711 = arith.addi %broadcast_in_dim3A_709, %add3A_710 : vector<16xi32>
      %gather3A_712 = tpu.vector_load_idx %arg15[%iota3A, %add3A_711] : memref<16x16xf32, #tpu.memory_space<vmem>>[vector<16xi32>, vector<16xi32>], vector<16xf32>,
      %add3A_713 = arith.addf %add3A_706, %gather3A_712 : vector<16xf32>
      %scan3A_714 = arith.constant 6 : i32
      %broadcast_in_dim3A_715 = arith.constant 0 : i32
      %broadcast_in_dim3A_716 = vector.broadcast %broadcast_in_dim3A_715 : i32 to vector<16xi32>
      %add3A_717 = vector.broadcast %scan3A_714 : i32 to vector<16xi32>
      %add3A_718 = arith.addi %broadcast_in_dim3A_716, %add3A_717 : vector<16xi32>
      %gather3A_719 = tpu.vector_load_idx %arg15[%iota3A, %add3A_718] : memref<16x16xf32, #tpu.memory_space<vmem>>[vector<16xi32>, vector<16xi32>], vector<16xf32>,
      %add3A_720 = arith.addf %add3A_713, %gather3A_719 : vector<16xf32>
      %scan3A_721 = arith.constant 7 : i32
      %broadcast_in_dim3A_722 = arith.constant 0 : i32
      %broadcast_in_dim3A_723 = vector.broadcast %broadcast_in_dim3A_722 : i32 to vector<16xi32>
      %add3A_724 = vector.broadcast %scan3A_721 : i32 to vector<16xi32>
      %add3A_725 = arith.addi %broadcast_in_dim3A_723, %add3A_724 : vector<16xi32>
      %gather3A_726 = tpu.vector_load_idx %arg15[%iota3A, %add3A_725] : memref<16x16xf32, #tpu.memory_space<vmem>>[vector<16xi32>, vector<16xi32>], vector<16xf32>,
      %add3A_727 = arith.addf %add3A_720, %gather3A_726 : vector<16xf32>
      %scan3A_728 = arith.constant 8 : i32
      %broadcast_in_dim3A_729 = arith.constant 0 : i32
      %broadcast_in_dim3A_730 = vector.broadcast %broadcast_in_dim3A_729 : i32 to vector<16xi32>
      %add3A_731 = vector.broadcast %scan3A_728 : i32 to vector<16xi32>
      %add3A_732 = arith.addi %broadcast_in_dim3A_730, %add3A_731 : vector<16xi32>
      %gather3A_733 = tpu.vector_load_idx %arg15[%iota3A, %add3A_732] : memref<16x16xf32, #tpu.memory_space<vmem>>[vector<16xi32>, vector<16xi32>], vector<16xf32>,
      %add3A_734 = arith.addf %add3A_727, %gather3A_733 : vector<16xf32>
      %scan3A_735 = arith.constant 9 : i32
      %broadcast_in_dim3A_736 = arith.constant 0 : i32
      %broadcast_in_dim3A_737 = vector.broadcast %broadcast_in_dim3A_736 : i32 to vector<16xi32>
      %add3A_738 = vector.broadcast %scan3A_735 : i32 to vector<16xi32>
      %add3A_739 = arith.addi %broadcast_in_dim3A_737, %add3A_738 : vector<16xi32>
      %gather3A_740 = tpu.vector_load_idx %arg15[%iota3A, %add3A_739] : memref<16x16xf32, #tpu.memory_space<vmem>>[vector<16xi32>, vector<16xi32>], vector<16xf32>,
      %add3A_741 = arith.addf %add3A_734, %gather3A_740 : vector<16xf32>
      %scan3A_742 = arith.constant 10 : i32
      %broadcast_in_dim3A_743 = arith.constant 0 : i32
      %broadcast_in_dim3A_744 = vector.broadcast %broadcast_in_dim3A_743 : i32 to vector<16xi32>
      %add3A_745 = vector.broadcast %scan3A_742 : i32 to vector<16xi32>
      %add3A_746 = arith.addi %broadcast_in_dim3A_744, %add3A_745 : vector<16xi32>
      %gather3A_747 = tpu.vector_load_idx %arg15[%iota3A, %add3A_746] : memref<16x16xf32, #tpu.memory_space<vmem>>[vector<16xi32>, vector<16xi32>], vector<16xf32>,
      %add3A_748 = arith.addf %add3A_741, %gather3A_747 : vector<16xf32>
      %scan3A_749 = arith.constant 11 : i32
      %broadcast_in_dim3A_750 = arith.constant 0 : i32
      %broadcast_in_dim3A_751 = vector.broadcast %broadcast_in_dim3A_750 : i32 to vector<16xi32>
      %add3A_752 = vector.broadcast %scan3A_749 : i32 to vector<16xi32>
      %add3A_753 = arith.addi %broadcast_in_dim3A_751, %add3A_752 : vector<16xi32>
      %gather3A_754 = tpu.vector_load_idx %arg15[%iota3A, %add3A_753] : memref<16x16xf32, #tpu.memory_space<vmem>>[vector<16xi32>, vector<16xi32>], vector<16xf32>,
      %add3A_755 = arith.addf %add3A_748, %gather3A_754 : vector<16xf32>
      %scan3A_756 = arith.constant 12 : i32
      %broadcast_in_dim3A_757 = arith.constant 0 : i32
      %broadcast_in_dim3A_758 = vector.broadcast %broadcast_in_dim3A_757 : i32 to vector<16xi32>
      %add3A_759 = vector.broadcast %scan3A_756 : i32 to vector<16xi32>
      %add3A_760 = arith.addi %broadcast_in_dim3A_758, %add3A_759 : vector<16xi32>
      %gather3A_761 = tpu.vector_load_idx %arg15[%iota3A, %add3A_760] : memref<16x16xf32, #tpu.memory_space<vmem>>[vector<16xi32>, vector<16xi32>], vector<16xf32>,
      %add3A_762 = arith.addf %add3A_755, %gather3A_761 : vector<16xf32>
      %scan3A_763 = arith.constant 13 : i32
      %broadcast_in_dim3A_764 = arith.constant 0 : i32
      %broadcast_in_dim3A_765 = vector.broadcast %broadcast_in_dim3A_764 : i32 to vector<16xi32>
      %add3A_766 = vector.broadcast %scan3A_763 : i32 to vector<16xi32>
      %add3A_767 = arith.addi %broadcast_in_dim3A_765, %add3A_766 : vector<16xi32>
      %gather3A_768 = tpu.vector_load_idx %arg15[%iota3A, %add3A_767] : memref<16x16xf32, #tpu.memory_space<vmem>>[vector<16xi32>, vector<16xi32>], vector<16xf32>,
      %add3A_769 = arith.addf %add3A_762, %gather3A_768 : vector<16xf32>
      %scan3A_770 = arith.constant 14 : i32
      %broadcast_in_dim3A_771 = arith.constant 0 : i32
      %broadcast_in_dim3A_772 = vector.broadcast %broadcast_in_dim3A_771 : i32 to vector<16xi32>
      %add3A_773 = vector.broadcast %scan3A_770 : i32 to vector<16xi32>
      %add3A_774 = arith.addi %broadcast_in_dim3A_772, %add3A_773 : vector<16xi32>
      %gather3A_775 = tpu.vector_load_idx %arg15[%iota3A, %add3A_774] : memref<16x16xf32, #tpu.memory_space<vmem>>[vector<16xi32>, vector<16xi32>], vector<16xf32>,
      %add3A_776 = arith.addf %add3A_769, %gather3A_775 : vector<16xf32>
      %scan3A_777 = arith.constant 15 : i32
      %broadcast_in_dim3A_778 = arith.constant 0 : i32
      %broadcast_in_dim3A_779 = vector.broadcast %broadcast_in_dim3A_778 : i32 to vector<16xi32>
      %add3A_780 = vector.broadcast %scan3A_777 : i32 to vector<16xi32>
      %add3A_781 = arith.addi %broadcast_in_dim3A_779, %add3A_780 : vector<16xi32>
      %gather3A_782 = tpu.vector_load_idx %arg15[%iota3A, %add3A_781] : memref<16x16xf32, #tpu.memory_space<vmem>>[vector<16xi32>, vector<16xi32>], vector<16xf32>,
      %add3A_783 = arith.addf %add3A_776, %gather3A_782 : vector<16xf32>
      %scan3A_784 = arith.constant 16 : i32
      %mul3A_785 = arith.constant 16 : i32
      %mul3A_786 = arith.muli %scan3A_295, %mul3A_785 : i32
      %swap3A_787 = arith.index_cast %mul3A_786 : i32 to index
      %swap3A_788 = tpu.vector_load %arg16[%swap3A_787] {strides = array<i32>} : memref<512xf32, #tpu.memory_space<vmem>>, vector<16xf32>,
      tpu.vector_store %arg16[%swap3A_787], %add3A_783 {strides = array<i32>} : memref<512xf32, #tpu.memory_space<vmem>>, vector<16xf32>,
      %scan3A_789 = arith.constant 0 : i32
      scf.yield %scan3A_789 : i32
    }
    %scan3A_292 = arith.constant 32 : i32
    %mul3A_293 = arith.constant 512 : i32
    %mul3A_294 = arith.muli %add3A, %mul3A_293 : i32
    "tpu.region"() ({
      %run_scoped3A = tpu.sem_alloc : memref<!tpu.dma_semaphore, #tpu.memory_space<semaphore_mem>>
      %dma_start3A_295 = tpu.memref_slice %arg8[%mul3A_294] : memref<16384xf32, #tpu.memory_space<hbm>> -> memref<512xf32, #tpu.memory_space<hbm>>
      %dma_start3A_296 = tpu.memref_slice %arg8[%mul3A_294] : memref<16384xf32, #tpu.memory_space<hbm>> -> memref<512xf32, #tpu.memory_space<hbm>>
      tpu.enqueue_dma source(%arg16 : memref<512xf32, #tpu.memory_space<vmem>>) target(%dma_start3A_296 : memref<512xf32, #tpu.memory_space<hbm>>) target_semaphore(%run_scoped3A : memref<!tpu.dma_semaphore, #tpu.memory_space<semaphore_mem>>)
      %dma_wait3A_297 = tpu.memref_slice %arg8[%mul3A_294] : memref<16384xf32, #tpu.memory_space<hbm>> -> memref<512xf32, #tpu.memory_space<hbm>>
      %dma_wait3A_298 = tpu.memref_slice %arg8[%mul3A_294] : memref<16384xf32, #tpu.memory_space<hbm>> -> memref<512xf32, #tpu.memory_space<hbm>>
      tpu.wait_dma2 semaphore(%run_scoped3A : memref<!tpu.dma_semaphore, #tpu.memory_space<semaphore_mem>>) src(%arg16 : memref<512xf32, #tpu.memory_space<vmem>>) dst(%dma_wait3A_298 : memref<512xf32, #tpu.memory_space<hbm>>)
      tpu.yield
    }) : () -> ()
    return
  }
}

module attributes {stable_mosaic.version = 14 : i64} {
  func.func @_tc_loss_body(%arg0: memref<128x128xf32, #tpu.memory_space<vmem>>, %arg1: memref<128x128xf32, #tpu.memory_space<vmem>>, %arg2: memref<128x128xf32, #tpu.memory_space<vmem>>, %arg3: memref<1x1xf32, #tpu.memory_space<vmem>>) attributes {dimension_semantics = [], scalar_prefetch = 0 : i64, scratch_operands = 0 : i64, tpu.core_type = #tpu.core_type<tc>} {
    %get3A = arith.constant 0 : index
    %get3A_0 = arith.constant 0 : index
    %get3A_1 = vector.load %arg0[%get3A, %get3A_0] : memref<128x128xf32, #tpu.memory_space<vmem>>, vector<128x128xf32>
    %get3A_2 = arith.constant 0 : index
    %get3A_3 = arith.constant 0 : index
    %get3A_4 = vector.load %arg1[%get3A_2, %get3A_3] : memref<128x128xf32, #tpu.memory_space<vmem>>, vector<128x128xf32>
    %log3A = math.log %get3A_4 : vector<128x128xf32>
    %sub3A = arith.subf %get3A_1, %log3A : vector<128x128xf32>
    %get3A_5 = arith.constant 0 : index
    %get3A_6 = arith.constant 0 : index
    %get3A_7 = vector.load %arg2[%get3A_5, %get3A_6] : memref<128x128xf32, #tpu.memory_space<vmem>>, vector<128x128xf32>
    %mul3A = arith.mulf %get3A_7, %sub3A : vector<128x128xf32>
    %mul3A_8 = arith.mulf %mul3A, %sub3A : vector<128x128xf32>
    %reduce_sum3A = vector.shape_cast %mul3A_8 : vector<128x128xf32> to vector<1x128x128xf32>
    %reduce_sum3A_9 = arith.constant dense<0.000000e+00> : vector<1xf32>
    %reduce_sum3A_10 = vector.multi_reduction <add>, %reduce_sum3A, %reduce_sum3A_9 [1, 2] : vector<1x128x128xf32> to vector<1xf32>
    %reduce_sum3A_11 = vector.shape_cast %reduce_sum3A_10 : vector<1xf32> to vector<1x1x1xf32>
    %reduce_sum3A_12 = vector.extract %reduce_sum3A_11[0, 0, 0] : f32 from vector<1x1x1xf32>
    %mul3A_13 = arith.constant 6.10351563E-5 : f32
    %mul3A_14 = arith.mulf %reduce_sum3A_12, %mul3A_13 : f32
    %reshape3A = vector.broadcast %mul3A_14 : f32 to vector<1x1xf32>
    %swap3A = arith.constant 0 : index
    %swap3A_15 = arith.constant 0 : index
    %swap3A_16 = vector.load %arg3[%swap3A, %swap3A_15] : memref<1x1xf32, #tpu.memory_space<vmem>>, vector<1x1xf32>
    tpu.vector_store %arg3[%swap3A, %swap3A_15], %reshape3A {strides = array<i32>} : memref<1x1xf32, #tpu.memory_space<vmem>>, vector<1x1xf32>,
    return
  }
}

</mosaic_0001>

<sc_bundles>
// kernel: kernel.4.cloned.1.call-start
scs
__scs_entry_jumppad:
0x0: {  	(pc) =	sbr.rel $0x88, $3  }
0x1: {  	(tag) =	ssettag $0x0;
	lr =	simm.s32 $0x1  }
0x2: {  	[smem:$0x3F99] =	sst lr;
	_ =	strace $0xD0000000  }
0x3: {  	_ = 	snop  }
0x4: {  	_ = 	snop  }
0x5: {  	_ = 	snop  }
0x6: {  	_ = 	snop  }
0x7: {  	_ = 	snop  }
__scs_overlays_trampoline_lowered:
0x8: {  	[smem:$0x3FA8] =	sst s0  }
0x9: {  	[smem:$0x3FA9] =	sst s1  }
0xa: {  	[smem:$0x3FAA] =	sst s2  }
0xb: {  	[smem:$0x3FAB] =	sst s3  }
0xc: {  	[smem:$0x3FAC] =	sst s4  }
0xd: {  	[smem:$0x3FAD] =	sst s5  }
0xe: {  	[smem:$0x3FAE] =	sst s6  }
0xf: {  	[smem:$0x3FAF] =	sst s7  }
0x10: {  	[smem:$0x3FB0] =	sst s8  }
0x11: {  	[smem:$0x3FB1] =	sst s9;
	s0 =	simm.s32 @!p0 $0x0  }
0x12: {  	s1 =	sld [smem:$0x3F97];
	s0 =	simm.s32 @p0 $0x1  }
0x13: {  	[smem:$0x3FB2] =	sst s0;
	s0 =	simm.s32 @!p1 $0x0  }
0x14: {  	s2 =	sld [smem:$0x3F96];
	s0 =	simm.s32 @p1 $0x1  }
0x15: {  	[smem:$0x3FB3] =	sst s0;
	s0 =	simm.s32 @!p2 $0x0  }
0x16: {  	s3 =	sld [smem:$0x3FDB];
	s0 =	simm.s32 @p2 $0x1  }
0x17: {  	s4 =	simm.s32 $0x1BF5;
	[smem:$0x3FB5] =	sst s0  }
0x18: {  	s0 =	sld [smem:$0x3F98];
	_ =	swait.ge [sflag:s4], $0x0  }
0x19: {  	s7 =	sld [smem:$0x3F99]  }
0x1a: {  	s8 =	sadd.s32 $0xFFFFE003, lr  }
0x1b: {  	s9 =	sadd.s32 $0xFFFFFEF7, lr;
	s5 =	simm.s32 $0xFFFFFFFF;
	p2 =	slt.u32 s8, $0xFFFFF086  }
0x1c: {  	p1 =	slt.u32 s9, $0xF7A;
	s5 =	simm.s32 @!p2 $0x0  }
0x1d: {  	s5 =	simm.s32 @p1 $0x1;
	p0 =	seq.s32 s7, s2  }
0x1e: {  	s7 =	smul.u32 @!p0 $0xF7A, s2;
	p2 =	seq.s32 @!p0 s5, $0x0  }
0x1f: {  	s9 =	smul.u32 $0xF7A, s1;
	s8 =	simm.s32 @!p0 $0x1BF5;
	p2 =	por !p2, p0  }
0x20: {  	[sflag:s8] =	ssyncset.s32 @!p0 $0xFFFFF086;
	s6 =	sadd.s32 @!p0 s3, s7;
	s7 =	simm.s32 @!p0 $0x108  }
0x21: {  	s3 =	sadd.s32 s3, s9;
	s6 =	sadd.s32 @!p0 $0x88, s6;
	s7 =	simm.s32 @p2 $0x1082  }
0x22: {  	[simem:s7], [sflag:s8] =	dma.local @!p0 [hbm:s6], $0xF7A  }
0x23: {  	s9 =	sor.u32 $0xD0000000, s2;
	s6 =	simm.s32 $0x108;
	_ =	swait.ge @!p0 [sflag:s8], $0x0  }
0x24: {  	s3 =	sadd.s32 $0x88, s3;
	s6 =	simm.s32 @!p1 $0x1082;
	[sflag:s4] =	ssyncset.s32 $0xFFFFF086  }
0x25: {  	[simem:s6], [sflag:s4] =	dma.local [hbm:s3], $0xF7A  }
0x26: {  	[smem:$0x3F99] =	sst s1;
	(tag) =	ssettag s2;
	_ =	strace s9  }
0x27: {  	s1 =	sld [smem:$0x3FA9]  }
0x28: {  	s2 =	sld [smem:$0x3FAA]  }
0x29: {  	s4 =	sld [smem:$0x3FAC]  }
0x2a: {  	p0 =	seq.s32 s5, $0x0;
	s5 =	sld [smem:$0x3FAD]  }
0x2b: {  	s6 =	sld [smem:$0x3FAE]  }
0x2c: {  	s7 =	sld [smem:$0x3FAF]  }
0x2d: {  	s3 =	simm.s32 $0x108;
	s8 =	sld [smem:$0x3FB0]  }
0x2e: {  	s3 =	simm.s32 @!p0 $0x1082;
	s9 =	sld [smem:$0x3FB1]  }
0x2f: {  	lr =	sadd.s32 s0, s3;
	s0 =	sld [smem:$0x3FA8]  }
0x30: {  	s3 =	sld [smem:$0x3FAB]  }
0x31: {  	[smem:$0x3FB4] =	sst s10  }
0x32: {  	s10 =	sld [smem:$0x3FB2];
	_ =	sdelay $0x3  }
0x33: {  	p0 =	seq.s32 s10, $0x1;
	s10 =	sld [smem:$0x3FB4];
	_ =	sdelay $0x3  }
0x34: {  	[smem:$0x3FB4] =	sst s10  }
0x35: {  	s10 =	sld [smem:$0x3FB3];
	_ =	sdelay $0x3  }
0x36: {  	p1 =	seq.s32 s10, $0x1;
	s10 =	sld [smem:$0x3FB4];
	_ =	sdelay $0x3  }
0x37: {  	[smem:$0x3FB4] =	sst s10  }
0x38: {  	s10 =	sld [smem:$0x3FB5]  }
0x39: {  	_ = 	snop;
	(pc) =	sbr.ind lr, $3  }
0x3a: {  	_ = 	snop  }
0x3b: {  	_ = 	snop  }
0x3c: {  	p2 =	seq.s32 s10, $0x1;
	s10 =	sld [smem:$0x3FB4]  }
0x3d: {  	_ =	shalt  }
0x3e: {  	_ =	shalt  }
0x3f: {  	_ =	shalt  }
0x40: {  	_ =	shalt  }
0x41: {  	_ =	shalt  }
0x42: {  	_ =	shalt  }
0x43: {  	_ =	shalt  }
0x44: {  	_ =	shalt  }
0x45: {  	_ =	shalt  }
0x46: {  	_ =	shalt  }
0x47: {  	_ =	shalt  }
0x48: {  	_ =	shalt  }
0x49: {  	_ =	shalt  }
0x4a: {  	_ =	shalt  }
0x4b: {  	_ =	shalt  }
0x4c: {  	_ =	shalt  }
0x4d: {  	_ =	shalt  }
0x4e: {  	_ =	shalt  }
0x4f: {  	_ =	shalt  }
0x50: {  	_ =	shalt  }
0x51: {  	_ =	shalt  }
0x52: {  	_ =	shalt  }
0x53: {  	_ =	shalt  }
0x54: {  	_ =	shalt  }
0x55: {  	_ =	shalt  }
0x56: {  	_ =	shalt  }
0x57: {  	_ =	shalt  }
0x58: {  	_ =	shalt  }
0x59: {  	_ =	shalt  }
0x5a: {  	_ =	shalt  }
0x5b: {  	_ =	shalt  }
0x5c: {  	_ =	shalt  }
0x5d: {  	_ =	shalt  }
0x5e: {  	_ =	shalt  }
0x5f: {  	_ =	shalt  }
0x60: {  	_ =	shalt  }
0x61: {  	_ =	shalt  }
0x62: {  	_ =	shalt  }
0x63: {  	_ =	shalt  }
0x64: {  	_ =	shalt  }
0x65: {  	_ =	shalt  }
0x66: {  	_ =	shalt  }
0x67: {  	_ =	shalt  }
0x68: {  	_ =	shalt  }
0x69: {  	_ =	shalt  }
0x6a: {  	_ =	shalt  }
0x6b: {  	_ =	shalt  }
0x6c: {  	_ =	shalt  }
0x6d: {  	_ =	shalt  }
0x6e: {  	_ =	shalt  }
0x6f: {  	_ =	shalt  }
0x70: {  	_ =	shalt  }
0x71: {  	_ =	shalt  }
0x72: {  	_ =	shalt  }
0x73: {  	_ =	shalt  }
0x74: {  	_ =	shalt  }
0x75: {  	_ =	shalt  }
0x76: {  	_ =	shalt  }
0x77: {  	_ =	shalt  }
0x78: {  	_ =	shalt  }
0x79: {  	_ =	shalt  }
0x7a: {  	_ =	shalt  }
0x7b: {  	_ =	shalt  }
0x7c: {  	_ =	shalt  }
0x7d: {  	_ =	shalt  }
0x7e: {  	_ =	shalt  }
0x7f: {  	_ =	shalt  }
0x80: {  	_ =	shalt  }
0x81: {  	_ =	shalt  }
0x82: {  	_ =	shalt  }
0x83: {  	_ =	shalt  }
0x84: {  	_ =	shalt  }
0x85: {  	_ =	shalt  }
0x86: {  	_ =	shalt  }
0x87: {  	_ =	shalt  }
.Lfunc_end0:
.L_simem_size_0:
called_computation_lowered:
.L_overlay_start_0:
0x88: {  	s2 =	sld [smem:$0x3FD9]  }
0x89: {  	s3 =	sld [smem:$0x3FFE];
	_ =	sdelay $0x1  }
0x8a: {  	s1 =	srdreg.scid  }
0x8b: {  	s0 =	sand.u32 $0x1, s1  }
0x8c: {  	s17 =	sshll.u32 s0, $0xA;
	s2 =	sadd.s32 s3, s2  }
0x8d: {  	s2 =	sadd.s32 s2, s17  }
0x8e: {  	[smem:$0x3FC0] =	sst s2  }
0x8f: {  	_ = 	snop  }
0x90: {  	s2 =	sld [smem:$0x3FC9]  }
0x91: {  	s18 =	sld [smem:$0x3FC8];
	(tm) =	ssettm $0x1  }
0x92: {  	s4 =	sld [smem:$0x3FFB];
	_ =	sdelay $0x3  }
0x93: {  	_ =	strace s4  }
0x94: {  	s4 =	sld [smem:$0x3FFC];
	_ =	sdelay $0x3  }
0x95: {  	_ =	strace s4  }
0x96: {  	s4 =	sld [smem:$0x3FFD];
	_ =	sdelay $0x3  }
0x97: {  	_ =	strace s4  }
0x98: {  	_ =	strace $0x8FFFFFFF  }
0x99: {  	s19 =	sld [smem:$0x3FDB];
	_ =	sdelay $0x1  }
0x9a: {  	s5 =	simm.s32 $_scs_section_size  }
0x9b: {  	s6 =	simm.s32 $_size__tile_overlayer_lowered;
	s7 =	simm.s32 $_tile_overlayer_lowered  }
0x9c: {  	s22 =	simm.s32 $0x1BFF;
	s21 =	sshll.u32 s7, $0x1;
	s4 =	sadd.s32 s5, s19  }
0x9d: {  	s8 =	simm.s32 $0x0;
	s20 =	sshll.u32 s6, $0x1;
	s6 =	sadd.s32 s21, s4  }
0x9e: {  	[timem:s8], [sflag:s22] =	dma.local [hbm:s6], s20  }
0x9f: {  	_ =	swait.ge [sflag:s22], s20  }
0xa0: {  	s5 =	ssub.s32 $0x0, s20;
	[sflag:s22] =	ssyncset.done $0x0  }
0xa1: {  	[sflag:s22] =	ssyncadd.s32 s5;
	_ =	sdelay $0x1  }
0xa2: {  	s23 =	simm.s32 $0x1B8B  }
0xa3: {  	_ =	swait.ge [sflag:s23], $0x1  }
0xa4: {  	[sflag:s23] =	ssyncset.done $0x0  }
0xa5: {  	s25 =	simm.s32 $0x1B8E;
	s24 =	sld [smem:$0x3FFE];
	[sflag:s23] =	ssyncadd.s32 $0xFFFFFFFF  }
0xa6: {  	s26 =	simm.s32 $execute0_lowered;
	[smem:$0x3FD2] =	sst s25  }
0xa7: {  	s6 =	sshll.u32 s26, $0x1;
	_ =	strace $0x80000046;
	[dreg:$0x1] =	wrdreg $0xFFFFFFFF  }
0xa8: {  	s28 =	simm.s32 $_size_execute0_lowered;
	s4 =	sadd.s32 s4, s6;
	[dreg:$0x0] =	wrdreg $0x0  }
0xa9: {  	s6 =	sshll.u32 s28, $0x1;
	[dreg:$0x2] =	wrdreg s4  }
0xaa: {  	[dreg:$0x3] =	wrdreg s6  }
0xab: {  	[dreg:$0x4] =	wrdreg $0xC0  }
0xac: {  	_ =	task [dreg:s8], $0x5FFFF  }
0xad: {  	[dreg:$0x1] =	wrdreg $0xFFFFFFFF  }
0xae: {  	[dreg:$0x0] =	wrdreg $0x60  }
0xaf: {  	[dreg:$0x2] =	wrdreg s2  }
0xb0: {  	[dreg:$0x3] =	wrdreg s18  }
0xb1: {  	[dreg:$0x4] =	wrdreg s24  }
0xb2: {  	[dreg:$0x5] =	wrdreg $0x9  }
0xb3: {  	_ =	task.clear_ibuf [dreg:s8], $0x6FFFF;
	_ =	strace $0x90000046  }
0xb4: {  	s29 =	simm.s32 $0x9;
	_ =	strace $0x80000048  }
0xb5: {  	_ =	swait.ge [sflag:s29], $0x1  }
0xb6: {  	[sflag:s29] =	ssyncadd.s32 $0xFFFFFFFF  }
0xb7: {  	_ =	strace $0x90000048  }
0xb8: {  	_ =	sfence  }
0xb9: {  	s30 =	sld [smem:$0x0];
	_ =	sdelay $0x2  }
0xba: {  	s31 =	sshll.u32 s1, $0xD;
	s1 =	sshrl.u32 s1, $0x2  }
0xbb: {  	s3 =	sand.u32 $0x4000, s31;
	s1 =	sadd.s32 s1, s30  }
0xbc: {  	s0 =	sor.u32 s3, s0;
	s1 =	sshll.u32 s1, $0x11  }
0xbd: {  	s0 =	sor.u32 s1, s0  }
0xbe: {  	s0 =	sadd.s32 $0x8F2B, s0  }
0xbf: {  	[sflag:s0] =	ssyncadd.remote.s32 $0x1  }
0xc0: {  	_ =	sfence.sel $0xFFFF  }
0xc1: {  	[dreg:$0x0] =	wrdreg $0xFFFFFFFF;
	(pc) =	sbr.abs _section_cstart, $3  }
0xc2: {  	[dreg:$0x1] =	wrdreg $0xFFFFFFFF  }
0xc3: {  	_ =	task.clear_ibuf [dreg:s8], $0x2FFFF;
	_ =	strace $0x9FFFFFFF  }
0xc4: {  	(tm) =	ssettm $0x7FFFFFFF  }
0xc5: {  	_ =	shalt  }
tec
execute0_lowered:
.L_overlay_start_1:
0x0: {  	(tag) =	ssettag $0x1  }
0x1: {  	s0 =	rddreg [dreg:$0x0]  }
0x2: {  	s2 =	rddreg [dreg:$0x1]  }
0x3: {  	s7 =	rddreg [dreg:$0x2];
	s1 =	simm.s32 $0x0  }
0x4: {  	s4 =	srdreg.scid;
	s5 =	stileid.u32;
	s12 =	simm.s32 $0x200  }
0x5: {  	s13 =	simm.s32 $0x80;
	s19 =	simm.s32 $0x280;
	s23 =	simm.s32 $0x100  }
0x6: {  	s25 =	simm.s32 $0x300;
	s30 =	simm.s32 $0x180;
	s31 =	simm.s32 $0x3400  }
0x7: {  	s14 =	simm.s32 $0x8580;
	s15 =	simm.s32 $0x8780;
	s16 =	simm.s32 $0x1  }
0x8: {  	v0 =	vlaneseq.u32;
	s17 =	simm.s32 $0x8800;
	s18 =	simm.s32 $0x8900;
	s20 =	simm.s32 $0x0  }
0x9: {  	[smem:$0x7FF] =	sst s1;
	s3 =	sadd.s32 $0x1313200, s7;
	s6 =	sand.u32 $0x1, s4;
	v0 =	vmul.u32 $0x10, v0  }
0xa: {  	s4 =	sadd.s32 $0xF42800, s7;
	s9 =	sshll.u32 s5, $0x6;
	s5 =	sadd.s32 $0x1EE00, s7  }
0xb: {  	_ =	strace $0x80000047;
	s8 =	sshll.u32 s6, $0xA;
	s28 =	ssub.s32 $0x2, s6;
	v1 =	vor.u32 $0x1, v0;
	v2 =	vor.u32 $0x2, v0;
	v3 =	vor.u32 $0x3, v0  }
0xc: {  	s6 =	sadd.s32 $0x400, s7;
	s8 =	sor.u32 s9, s8;
	s29 =	sshrl.u32 s28, $0x1;
	v4 =	vor.u32 $0x4, v0;
	v5 =	vor.u32 $0x5, v0;
	v6 =	vor.u32 $0x6, v0  }
0xd: {  	v7 =	vor.u32 $0x7, v0;
	v8 =	vor.u32 $0x8, v0;
	v9 =	vor.u32 $0x9, v0;
	s10 =	sadd.s32 s8, s7;
	s11 =	ssub.s32 s28, s29;
	s7 =	sadd.s32 s0, s8  }
0xe: {  	v10 =	vor.u32 $0xA, v0;
	v11 =	vor.u32 $0xB, v0;
	v12 =	vor.u32 $0xC, v0;
	s8 =	sadd.s32 s2, s8;
	s0 =	simm.s32 $0x380;
	s2 =	simm.s32 $0x7400  }
0xf: {  	v13 =	vor.u32 $0xD, v0;
	v14 =	vor.u32 $0xE, v0;
	v15 =	vor.u32 $0xF, v0;
	s9 =	sadd.s32 $0x3D800, s10;
	s10 =	smax.u32 s11, $0x1;
	s11 =	simm.s32 $0x2  }
.LBB2_1:
0x10: {  	[tilespmem:s1], [sflag:$0x2] =	stream.linear.gather [hbm4b:s7+s1], $0x200, $0x38;
	[tilespmem:$0x8B00] =	vst v63  }
0x11: {  	_ =	swait.ge [sflag:s11], $0x200  }
0x12: {  	[sflag:s11] =	ssyncset.done $0x0  }
0x13: {  	[sflag:s11] =	ssyncadd.s32 $0xFFFFFE00  }
0x14: {  	[tilespmem:s12], [sflag:$0x2] =	stream.linear.gather [hbm4b:s8+s1], $0x200, $0x38;
	[tilespmem:$0x8B00] =	vst v63  }
0x15: {  	_ =	swait.ge [sflag:s11], $0x200  }
0x16: {  	[sflag:s11] =	ssyncset.done $0x0  }
0x17: {  	s21 =	simm.s32 $0x400;
	[sflag:s11] =	ssyncadd.s32 $0xFFFFFE00  }
0x18: {  	[tilespmem:s21], [sflag:$0x1] =	stream.indirect.gather [hbm4b:s3+s13], $0x20, s1, s13, $0xb8;
	[tilespmem:$0x8B00] =	vst v63  }
0x19: {  	s29 =	simm.s32 $0x4400  }
0x1a: {  	[tilespmem:s29], [sflag:$0x1] =	stream.indirect.gather [hbm4b:s4+s13], $0x20, s12, s13, $0xb8;
	[tilespmem:$0x8B00] =	vst v63  }
0x1b: {  	s22 =	simm.s32 $0x8400  }
0x1c: {  	[tilespmem:s22], [sflag:$0x1] =	stream.indirect.gather [hbm4b:s5+s13], $0x1, s1, s13, $0xb8;
	[tilespmem:$0x8B00] =	vst v63  }
0x1d: {  	s24 =	simm.s32 $0x8600  }
0x1e: {  	[tilespmem:s24], [sflag:$0x1] =	stream.indirect.gather [hbm4b:s6+s13], $0x1, s12, s13, $0xb8;
	[tilespmem:$0x8B00] =	vst v63  }
0x1f: {  	s26 =	simm.s32 $0x1400  }
0x20: {  	[tilespmem:s26], [sflag:$0x1] =	stream.indirect.gather [hbm4b:s3+s13], $0x20, s13, s13, $0xb8;
	[tilespmem:$0x8B00] =	vst v63  }
0x21: {  	s28 =	simm.s32 $0x5400  }
0x22: {  	[tilespmem:s28], [sflag:$0x1] =	stream.indirect.gather [hbm4b:s4+s13], $0x20, s19, s13, $0xb8;
	[tilespmem:$0x8B00] =	vst v63  }
0x23: {  	s29 =	simm.s32 $0x8480  }
0x24: {  	[tilespmem:s29], [sflag:$0x1] =	stream.indirect.gather [hbm4b:s5+s13], $0x1, s13, s13, $0xb8;
	[tilespmem:$0x8B00] =	vst v63  }
0x25: {  	s22 =	simm.s32 $0x8680  }
0x26: {  	[tilespmem:s22], [sflag:$0x1] =	stream.indirect.gather [hbm4b:s6+s13], $0x1, s19, s13, $0xb8;
	[tilespmem:$0x8B00] =	vst v63  }
0x27: {  	s24 =	simm.s32 $0x2400  }
0x28: {  	[tilespmem:s24], [sflag:$0x1] =	stream.indirect.gather [hbm4b:s3+s13], $0x20, s23, s13, $0xb8;
	[tilespmem:$0x8B00] =	vst v63  }
0x29: {  	s26 =	simm.s32 $0x6400  }
0x2a: {  	[tilespmem:s26], [sflag:$0x1] =	stream.indirect.gather [hbm4b:s4+s13], $0x20, s25, s13, $0xb8;
	[tilespmem:$0x8B00] =	vst v63  }
0x2b: {  	s28 =	simm.s32 $0x8500  }
0x2c: {  	[tilespmem:s28], [sflag:$0x1] =	stream.indirect.gather [hbm4b:s5+s13], $0x1, s23, s13, $0xb8;
	[tilespmem:$0x8B00] =	vst v63  }
0x2d: {  	s29 =	simm.s32 $0x8700  }
0x2e: {  	[tilespmem:s29], [sflag:$0x1] =	stream.indirect.gather [hbm4b:s6+s13], $0x1, s25, s13, $0xb8;
	[tilespmem:$0x8B00] =	vst v63  }
0x2f: {  	_ = 	snop  }
0x30: {  	[tilespmem:s31], [sflag:$0x1] =	stream.indirect.gather [hbm4b:s3+s13], $0x20, s30, s13, $0xb8;
	[tilespmem:$0x8B00] =	vst v63  }
0x31: {  	_ = 	snop  }
0x32: {  	[tilespmem:s2], [sflag:$0x1] =	stream.indirect.gather [hbm4b:s4+s13], $0x20, s0, s13, $0xb8;
	[tilespmem:$0x8B00] =	vst v63  }
0x33: {  	_ = 	snop  }
0x34: {  	[tilespmem:s14], [sflag:$0x1] =	stream.indirect.gather [hbm4b:s5+s13], $0x1, s30, s13, $0xb8;
	[tilespmem:$0x8B00] =	vst v63  }
0x35: {  	_ = 	snop  }
0x36: {  	[tilespmem:s15], [sflag:$0x1] =	stream.indirect.gather [hbm4b:s6+s13], $0x1, s0, s13, $0xb8;
	[tilespmem:$0x8B00] =	vst v63  }
0x37: {  	_ =	swait.ge [sflag:s16], $0x1000  }
0x38: {  	[sflag:s16] =	ssyncset.done $0x0  }
0x39: {  	[sflag:s16] =	ssyncadd.s32 $0xFFFFF000  }
0x3a: {  	_ =	swait.ge [sflag:s16], $0x1000  }
0x3b: {  	[sflag:s16] =	ssyncset.done $0x0  }
0x3c: {  	[sflag:s16] =	ssyncadd.s32 $0xFFFFF000  }
0x3d: {  	_ =	swait.ge [sflag:s16], $0x80  }
0x3e: {  	[sflag:s16] =	ssyncset.done $0x0  }
0x3f: {  	[sflag:s16] =	ssyncadd.s32 $0xFFFFFF80  }
0x40: {  	_ =	swait.ge [sflag:s16], $0x80  }
0x41: {  	[sflag:s16] =	ssyncset.done $0x0  }
0x42: {  	[sflag:s16] =	ssyncadd.s32 $0xFFFFFF80  }
0x43: {  	_ =	swait.ge [sflag:s16], $0x1000  }
0x44: {  	[sflag:s16] =	ssyncset.done $0x0  }
0x45: {  	[sflag:s16] =	ssyncadd.s32 $0xFFFFF000  }
0x46: {  	_ =	swait.ge [sflag:s16], $0x1000  }
0x47: {  	[sflag:s16] =	ssyncset.done $0x0  }
0x48: {  	[sflag:s16] =	ssyncadd.s32 $0xFFFFF000  }
0x49: {  	_ =	swait.ge [sflag:s16], $0x80  }
0x4a: {  	[sflag:s16] =	ssyncset.done $0x0  }
0x4b: {  	[sflag:s16] =	ssyncadd.s32 $0xFFFFFF80  }
0x4c: {  	_ =	swait.ge [sflag:s16], $0x80  }
0x4d: {  	[sflag:s16] =	ssyncset.done $0x0  }
0x4e: {  	[sflag:s16] =	ssyncadd.s32 $0xFFFFFF80  }
0x4f: {  	_ =	swait.ge [sflag:s16], $0x1000  }
0x50: {  	[sflag:s16] =	ssyncset.done $0x0  }
0x51: {  	[sflag:s16] =	ssyncadd.s32 $0xFFFFF000  }
0x52: {  	_ =	swait.ge [sflag:s16], $0x1000  }
0x53: {  	[sflag:s16] =	ssyncset.done $0x0  }
0x54: {  	[sflag:s16] =	ssyncadd.s32 $0xFFFFF000  }
0x55: {  	_ =	swait.ge [sflag:s16], $0x80  }
0x56: {  	[sflag:s16] =	ssyncset.done $0x0  }
0x57: {  	[sflag:s16] =	ssyncadd.s32 $0xFFFFFF80  }
0x58: {  	_ =	swait.ge [sflag:s16], $0x80  }
0x59: {  	[sflag:s16] =	ssyncset.done $0x0  }
0x5a: {  	[sflag:s16] =	ssyncadd.s32 $0xFFFFFF80  }
0x5b: {  	_ =	swait.ge [sflag:s16], $0x1000  }
0x5c: {  	[sflag:s16] =	ssyncset.done $0x0  }
0x5d: {  	[sflag:s16] =	ssyncadd.s32 $0xFFFFF000  }
0x5e: {  	_ =	swait.ge [sflag:s16], $0x1000  }
0x5f: {  	[sflag:s16] =	ssyncset.done $0x0  }
0x60: {  	[sflag:s16] =	ssyncadd.s32 $0xFFFFF000  }
0x61: {  	_ =	swait.ge [sflag:s16], $0x80  }
0x62: {  	[sflag:s16] =	ssyncset.done $0x0  }
0x63: {  	[sflag:s16] =	ssyncadd.s32 $0xFFFFFF80  }
0x64: {  	_ =	swait.ge [sflag:s16], $0x80  }
0x65: {  	[sflag:s16] =	ssyncset.done $0x0  }
0x66: {  	s21 =	simm.s32 $0x500;
	[sflag:s16] =	ssyncadd.s32 $0xFFFFFF80  }
0x67: {  	s22 =	simm.s32 $0x4500;
	v16 =	vld [tilespmem:s21+$0xFFFFFF00]  }
0x68: {  	v17 =	vld [tilespmem:s22+$0xFFFFFF10]  }
0x69: {  	v18 =	vld [tilespmem:s21+$0xFFFFFF10]  }
0x6a: {  	v19 =	vld [tilespmem:s22+$0xFFFFFF00];
	_ =	sdelay $0x4  }
0x6b: {  	v17 =	vmul.f32 v17, v18;
	v16 =	vmul.f32 v19, v16;
	_ =	sdelay $0x1  }
0x6c: {  	v16 =	vadd.f32 v17, v16;
	_ =	sdelay $0x1  }
0x6d: {  	[tilespmem:$0x8800] =	vst v16  }
0x6e: {  	v16 =	vld [tilespmem:s22+$0xFFFFFF30]  }
0x6f: {  	v17 =	vld [tilespmem:s21+$0xFFFFFF20]  }
0x70: {  	v18 =	vld [tilespmem:s21+$0xFFFFFF30]  }
0x71: {  	v19 =	vld [tilespmem:s22+$0xFFFFFF20];
	_ =	sdelay $0x4  }
0x72: {  	v16 =	vmul.f32 v16, v18;
	v17 =	vmul.f32 v19, v17;
	_ =	sdelay $0x1  }
0x73: {  	v16 =	vadd.f32 v16, v17;
	_ =	sdelay $0x1  }
0x74: {  	[tilespmem:$0x8810] =	vst v16  }
0x75: {  	v16 =	vld [tilespmem:s21+$0xFFFFFF40]  }
0x76: {  	v17 =	vld [tilespmem:s22+$0xFFFFFF40]  }
0x77: {  	v18 =	vld [tilespmem:s21+$0xFFFFFF50]  }
0x78: {  	v19 =	vld [tilespmem:s22+$0xFFFFFF50];
	_ =	sdelay $0x4  }
0x79: {  	v16 =	vmul.f32 v17, v16;
	v17 =	vmul.f32 v19, v18;
	_ =	sdelay $0x1  }
0x7a: {  	v16 =	vadd.f32 v17, v16;
	_ =	sdelay $0x1  }
0x7b: {  	[tilespmem:$0x8820] =	vst v16  }
0x7c: {  	v16 =	vld [tilespmem:s21+$0xFFFFFF70]  }
0x7d: {  	v17 =	vld [tilespmem:s22+$0xFFFFFF60]  }
0x7e: {  	v18 =	vld [tilespmem:s21+$0xFFFFFF60]  }
0x7f: {  	v19 =	vld [tilespmem:s22+$0xFFFFFF70];
	_ =	sdelay $0x4  }
0x80: {  	v17 =	vmul.f32 v17, v18;
	v16 =	vmul.f32 v19, v16;
	_ =	sdelay $0x1  }
0x81: {  	v16 =	vadd.f32 v16, v17;
	_ =	sdelay $0x1  }
0x82: {  	[tilespmem:$0x8830] =	vst v16  }
0x83: {  	v16 =	vld [tilespmem:s22+$0xFFFFFF90]  }
0x84: {  	v17 =	vld [tilespmem:s22+$0xFFFFFF80]  }
0x85: {  	v18 =	vld [tilespmem:s21+$0xFFFFFF80]  }
0x86: {  	v19 =	vld [tilespmem:s21+$0xFFFFFF90];
	_ =	sdelay $0x4  }
0x87: {  	v17 =	vmul.f32 v17, v18;
	v16 =	vmul.f32 v16, v19;
	_ =	sdelay $0x1  }
0x88: {  	v16 =	vadd.f32 v16, v17;
	_ =	sdelay $0x1  }
0x89: {  	[tilespmem:$0x8840] =	vst v16  }
0x8a: {  	v16 =	vld [tilespmem:s22+$0xFFFFFFA0]  }
0x8b: {  	v17 =	vld [tilespmem:s22+$0xFFFFFFB0]  }
0x8c: {  	v18 =	vld [tilespmem:s21+$0xFFFFFFA0]  }
0x8d: {  	v19 =	vld [tilespmem:s21+$0xFFFFFFB0];
	_ =	sdelay $0x4  }
0x8e: {  	v16 =	vmul.f32 v16, v18;
	v17 =	vmul.f32 v17, v19;
	_ =	sdelay $0x1  }
0x8f: {  	v16 =	vadd.f32 v17, v16;
	_ =	sdelay $0x1  }
0x90: {  	[tilespmem:$0x8850] =	vst v16  }
0x91: {  	v16 =	vld [tilespmem:s22+$0xFFFFFFC0]  }
0x92: {  	v17 =	vld [tilespmem:s22+$0xFFFFFFD0]  }
0x93: {  	v18 =	vld [tilespmem:s21+$0xFFFFFFC0]  }
0x94: {  	v19 =	vld [tilespmem:s21+$0xFFFFFFD0];
	_ =	sdelay $0x4  }
0x95: {  	v16 =	vmul.f32 v16, v18;
	v17 =	vmul.f32 v17, v19;
	_ =	sdelay $0x1  }
0x96: {  	v16 =	vadd.f32 v17, v16;
	_ =	sdelay $0x1  }
0x97: {  	[tilespmem:$0x8860] =	vst v16  }
0x98: {  	v16 =	vld [tilespmem:s21+$0xFFFFFFE0]  }
0x99: {  	v17 =	vld [tilespmem:s22+$0xFFFFFFE0]  }
0x9a: {  	v18 =	vld [tilespmem:s22+$0xFFFFFFF0]  }
0x9b: {  	v19 =	vld [tilespmem:s21+$0xFFFFFFF0];
	_ =	sdelay $0x4  }
0x9c: {  	v16 =	vmul.f32 v17, v16;
	v17 =	vmul.f32 v18, v19;
	_ =	sdelay $0x1  }
0x9d: {  	v16 =	vadd.f32 v17, v16;
	_ =	sdelay $0x1  }
0x9e: {  	[tilespmem:$0x8870] =	vst v16  }
0x9f: {  	v16 =	vld [tilespmem:s22+$0x0]  }
0xa0: {  	v17 =	vld [tilespmem:s22+$0x10]  }
0xa1: {  	v18 =	vld [tilespmem:s21+$0x10]  }
0xa2: {  	v19 =	vld [tilespmem:s21+$0x0];
	_ =	sdelay $0x4  }
0xa3: {  	v17 =	vmul.f32 v17, v18;
	v16 =	vmul.f32 v16, v19;
	_ =	sdelay $0x1  }
0xa4: {  	v16 =	vadd.f32 v17, v16;
	_ =	sdelay $0x1  }
0xa5: {  	[tilespmem:$0x8880] =	vst v16  }
0xa6: {  	v16 =	vld [tilespmem:s22+$0x20]  }
0xa7: {  	v17 =	vld [tilespmem:s22+$0x30]  }
0xa8: {  	v18 =	vld [tilespmem:s21+$0x30]  }
0xa9: {  	v19 =	vld [tilespmem:s21+$0x20];
	_ =	sdelay $0x4  }
0xaa: {  	v17 =	vmul.f32 v17, v18;
	v16 =	vmul.f32 v16, v19;
	_ =	sdelay $0x1  }
0xab: {  	v16 =	vadd.f32 v17, v16;
	_ =	sdelay $0x1  }
0xac: {  	[tilespmem:$0x8890] =	vst v16  }
0xad: {  	v16 =	vld [tilespmem:s22+$0x40]  }
0xae: {  	v17 =	vld [tilespmem:s21+$0x40]  }
0xaf: {  	v18 =	vld [tilespmem:s21+$0x50]  }
0xb0: {  	v19 =	vld [tilespmem:s22+$0x50];
	_ =	sdelay $0x4  }
0xb1: {  	v16 =	vmul.f32 v16, v17;
	v17 =	vmul.f32 v19, v18;
	_ =	sdelay $0x1  }
0xb2: {  	v16 =	vadd.f32 v17, v16;
	_ =	sdelay $0x1  }
0xb3: {  	[tilespmem:$0x88A0] =	vst v16  }
0xb4: {  	v16 =	vld [tilespmem:s21+$0x70]  }
0xb5: {  	v17 =	vld [tilespmem:s22+$0x60]  }
0xb6: {  	v18 =	vld [tilespmem:s21+$0x60]  }
0xb7: {  	v19 =	vld [tilespmem:s22+$0x70];
	_ =	sdelay $0x4  }
0xb8: {  	v17 =	vmul.f32 v17, v18;
	v16 =	vmul.f32 v19, v16;
	_ =	sdelay $0x1  }
0xb9: {  	v16 =	vadd.f32 v16, v17;
	_ =	sdelay $0x1  }
0xba: {  	[tilespmem:$0x88B0] =	vst v16  }
0xbb: {  	v16 =	vld [tilespmem:s22+$0x90]  }
0xbc: {  	v17 =	vld [tilespmem:s21+$0x80]  }
0xbd: {  	v18 =	vld [tilespmem:s22+$0x80]  }
0xbe: {  	v19 =	vld [tilespmem:s21+$0x90];
	_ =	sdelay $0x4  }
0xbf: {  	v17 =	vmul.f32 v18, v17;
	v16 =	vmul.f32 v16, v19;
	_ =	sdelay $0x1  }
0xc0: {  	v16 =	vadd.f32 v16, v17;
	_ =	sdelay $0x1  }
0xc1: {  	[tilespmem:$0x88C0] =	vst v16  }
0xc2: {  	v16 =	vld [tilespmem:s22+$0xA0]  }
0xc3: {  	v17 =	vld [tilespmem:s22+$0xB0]  }
0xc4: {  	v18 =	vld [tilespmem:s21+$0xA0]  }
0xc5: {  	v19 =	vld [tilespmem:s21+$0xB0];
	_ =	sdelay $0x4  }
0xc6: {  	v16 =	vmul.f32 v16, v18;
	v17 =	vmul.f32 v17, v19;
	_ =	sdelay $0x1  }
0xc7: {  	v16 =	vadd.f32 v17, v16;
	_ =	sdelay $0x1  }
0xc8: {  	[tilespmem:$0x88D0] =	vst v16  }
0xc9: {  	v16 =	vld [tilespmem:s21+$0xC0]  }
0xca: {  	v17 =	vld [tilespmem:s22+$0xC0]  }
0xcb: {  	v18 =	vld [tilespmem:s22+$0xD0]  }
0xcc: {  	v19 =	vld [tilespmem:s21+$0xD0];
	_ =	sdelay $0x4  }
0xcd: {  	v16 =	vmul.f32 v17, v16;
	v17 =	vmul.f32 v18, v19;
	_ =	sdelay $0x1  }
0xce: {  	v16 =	vadd.f32 v17, v16;
	_ =	sdelay $0x1  }
0xcf: {  	[tilespmem:$0x88E0] =	vst v16  }
0xd0: {  	v17 =	vld [tilespmem:s21+$0xE0]  }
0xd1: {  	v19 =	vld [tilespmem:s22+$0xE0]  }
0xd2: {  	v16 =	vld [tilespmem:s21+$0xF0]  }
0xd3: {  	v18 =	vld [tilespmem:s22+$0xF0];
	_ =	sdelay $0x2  }
0xd4: {  	s24 =	simm.s32 $0x0;
	s26 =	simm.s32 $0x40;
	v17 =	vmul.f32 v19, v17  }
.LBB2_2:
0xd5: {  	p0 =	sne.s32 s26, $0x7C0;
	s21 =	sadd.s32 $0x200, s21;
	s22 =	sadd.s32 $0x200, s22  }
0xd6: {  	s29 =	smov.u32 s26;
	s26 =	sadd.s32 $0x40, s26;
	v16 =	vmul.f32 v18, v16;
	_ =	sdelay $0x1  }
0xd7: {  	v16 =	vadd.f32 v16, v17;
	_ =	sdelay $0x1  }
0xd8: {  	s28 =	sshra.s32 s24, $0x2;
	s24 =	smov.u32 s29;
	[tilespmem:$0x88F0] =	vst v16  }
0xd9: {  	v16 =	vld [tilespmem:s28+$0x8400]  }
0xda: {  	v17 =	vld [tilespmem:s28+$0x8600]  }
0xdb: {  	v18 =	vld.idx.msk [tilespmem:v0+s17+$0x0], $0xffff  }
0xdc: {  	v19 =	vld.idx.msk [tilespmem:v1+s17+$0x0], $0xffff  }
0xdd: {  	v20 =	vld.idx.msk [tilespmem:v2+s17+$0x0], $0xffff  }
0xde: {  	v21 =	vld.idx.msk [tilespmem:v3+s17+$0x0], $0xffff  }
0xdf: {  	v16 =	vadd.f32 v17, v16;
	v17 =	vld.idx.msk [tilespmem:v4+s17+$0x0], $0xffff  }
0xe0: {  	v22 =	vld.idx.msk [tilespmem:v5+s17+$0x0], $0xffff  }
0xe1: {  	v16 =	vadd.f32 v18, v16;
	v18 =	vld.idx.msk [tilespmem:v6+s17+$0x0], $0xffff  }
0xe2: {  	v23 =	vld.idx.msk [tilespmem:v7+s17+$0x0], $0xffff  }
0xe3: {  	v16 =	vadd.f32 v19, v16;
	v19 =	vld.idx.msk [tilespmem:v8+s17+$0x0], $0xffff  }
0xe4: {  	v24 =	vld.idx.msk [tilespmem:v9+s17+$0x0], $0xffff  }
0xe5: {  	v16 =	vadd.f32 v20, v16;
	v20 =	vld.idx.msk [tilespmem:v10+s17+$0x0], $0xffff  }
0xe6: {  	v25 =	vld.idx.msk [tilespmem:v11+s17+$0x0], $0xffff  }
0xe7: {  	v16 =	vadd.f32 v21, v16;
	v21 =	vld.idx.msk [tilespmem:v12+s17+$0x0], $0xffff  }
0xe8: {  	v26 =	vld.idx.msk [tilespmem:v13+s17+$0x0], $0xffff  }
0xe9: {  	v16 =	vadd.f32 v17, v16;
	v17 =	vld.idx.msk [tilespmem:v14+s17+$0x0], $0xffff  }
0xea: {  	v27 =	vld.idx.msk [tilespmem:v15+s17+$0x0], $0xffff  }
0xeb: {  	v16 =	vadd.f32 v22, v16;
	_ =	sdelay $0x1  }
0xec: {  	v16 =	vadd.f32 v18, v16;
	_ =	sdelay $0x1  }
0xed: {  	v16 =	vadd.f32 v23, v16;
	_ =	sdelay $0x1  }
0xee: {  	v16 =	vadd.f32 v19, v16;
	_ =	sdelay $0x1  }
0xef: {  	v16 =	vadd.f32 v24, v16;
	_ =	sdelay $0x1  }
0xf0: {  	v16 =	vadd.f32 v20, v16;
	_ =	sdelay $0x1  }
0xf1: {  	v16 =	vadd.f32 v25, v16;
	_ =	sdelay $0x1  }
0xf2: {  	v16 =	vadd.f32 v21, v16;
	_ =	sdelay $0x1  }
0xf3: {  	v16 =	vadd.f32 v26, v16;
	_ =	sdelay $0x1  }
0xf4: {  	v16 =	vadd.f32 v17, v16;
	_ =	sdelay $0x1  }
0xf5: {  	v16 =	vadd.f32 v27, v16;
	_ =	sdelay $0x1  }
0xf6: {  	[tilespmem:s28+$0x8900] =	vst v16  }
0xf7: {  	v16 =	vld [tilespmem:s21+$0xFFFFFF00]  }
0xf8: {  	v17 =	vld [tilespmem:s22+$0xFFFFFF10]  }
0xf9: {  	v18 =	vld [tilespmem:s21+$0xFFFFFF10]  }
0xfa: {  	v19 =	vld [tilespmem:s22+$0xFFFFFF00];
	_ =	sdelay $0x3  }
0xfb: {  	v17 =	vmul.f32 v17, v18  }
0xfc: {  	v16 =	vmul.f32 v19, v16;
	_ =	sdelay $0x1  }
0xfd: {  	v16 =	vadd.f32 v17, v16;
	_ =	sdelay $0x1  }
0xfe: {  	[tilespmem:$0x8800] =	vst v16  }
0xff: {  	v16 =	vld [tilespmem:s22+$0xFFFFFF30]  }
0x100: {  	v17 =	vld [tilespmem:s21+$0xFFFFFF20]  }
0x101: {  	v18 =	vld [tilespmem:s21+$0xFFFFFF30]  }
0x102: {  	v19 =	vld [tilespmem:s22+$0xFFFFFF20];
	_ =	sdelay $0x3  }
0x103: {  	v16 =	vmul.f32 v16, v18  }
0x104: {  	v17 =	vmul.f32 v19, v17;
	_ =	sdelay $0x1  }
0x105: {  	v16 =	vadd.f32 v16, v17;
	_ =	sdelay $0x1  }
0x106: {  	[tilespmem:$0x8810] =	vst v16  }
0x107: {  	v16 =	vld [tilespmem:s21+$0xFFFFFF40]  }
0x108: {  	v17 =	vld [tilespmem:s22+$0xFFFFFF40]  }
0x109: {  	v18 =	vld [tilespmem:s21+$0xFFFFFF50]  }
0x10a: {  	v19 =	vld [tilespmem:s22+$0xFFFFFF50];
	_ =	sdelay $0x2  }
0x10b: {  	v16 =	vmul.f32 v17, v16;
	_ =	sdelay $0x1  }
0x10c: {  	v17 =	vmul.f32 v19, v18;
	_ =	sdelay $0x1  }
0x10d: {  	v16 =	vadd.f32 v17, v16;
	_ =	sdelay $0x1  }
0x10e: {  	[tilespmem:$0x8820] =	vst v16  }
0x10f: {  	v16 =	vld [tilespmem:s21+$0xFFFFFF70]  }
0x110: {  	v17 =	vld [tilespmem:s22+$0xFFFFFF60]  }
0x111: {  	v18 =	vld [tilespmem:s21+$0xFFFFFF60]  }
0x112: {  	v19 =	vld [tilespmem:s22+$0xFFFFFF70];
	_ =	sdelay $0x3  }
0x113: {  	v17 =	vmul.f32 v17, v18  }
0x114: {  	v16 =	vmul.f32 v19, v16;
	_ =	sdelay $0x1  }
0x115: {  	v16 =	vadd.f32 v16, v17;
	_ =	sdelay $0x1  }
0x116: {  	[tilespmem:$0x8830] =	vst v16  }
0x117: {  	v16 =	vld [tilespmem:s22+$0xFFFFFF90]  }
0x118: {  	v17 =	vld [tilespmem:s22+$0xFFFFFF80]  }
0x119: {  	v18 =	vld [tilespmem:s21+$0xFFFFFF80]  }
0x11a: {  	v19 =	vld [tilespmem:s21+$0xFFFFFF90];
	_ =	sdelay $0x3  }
0x11b: {  	v17 =	vmul.f32 v17, v18  }
0x11c: {  	v16 =	vmul.f32 v16, v19;
	_ =	sdelay $0x1  }
0x11d: {  	v16 =	vadd.f32 v16, v17;
	_ =	sdelay $0x1  }
0x11e: {  	[tilespmem:$0x8840] =	vst v16  }
0x11f: {  	v16 =	vld [tilespmem:s22+$0xFFFFFFA0]  }
0x120: {  	v17 =	vld [tilespmem:s22+$0xFFFFFFB0]  }
0x121: {  	v18 =	vld [tilespmem:s21+$0xFFFFFFA0]  }
0x122: {  	v19 =	vld [tilespmem:s21+$0xFFFFFFB0];
	_ =	sdelay $0x3  }
0x123: {  	v16 =	vmul.f32 v16, v18  }
0x124: {  	v17 =	vmul.f32 v17, v19;
	_ =	sdelay $0x1  }
0x125: {  	v16 =	vadd.f32 v17, v16;
	_ =	sdelay $0x1  }
0x126: {  	[tilespmem:$0x8850] =	vst v16  }
0x127: {  	v16 =	vld [tilespmem:s22+$0xFFFFFFC0]  }
0x128: {  	v17 =	vld [tilespmem:s22+$0xFFFFFFD0]  }
0x129: {  	v18 =	vld [tilespmem:s21+$0xFFFFFFC0]  }
0x12a: {  	v19 =	vld [tilespmem:s21+$0xFFFFFFD0];
	_ =	sdelay $0x3  }
0x12b: {  	v16 =	vmul.f32 v16, v18  }
0x12c: {  	v17 =	vmul.f32 v17, v19;
	_ =	sdelay $0x1  }
0x12d: {  	v16 =	vadd.f32 v17, v16;
	_ =	sdelay $0x1  }
0x12e: {  	[tilespmem:$0x8860] =	vst v16  }
0x12f: {  	v16 =	vld [tilespmem:s21+$0xFFFFFFE0]  }
0x130: {  	v17 =	vld [tilespmem:s22+$0xFFFFFFE0]  }
0x131: {  	v18 =	vld [tilespmem:s22+$0xFFFFFFF0]  }
0x132: {  	v19 =	vld [tilespmem:s21+$0xFFFFFFF0];
	_ =	sdelay $0x2  }
0x133: {  	v16 =	vmul.f32 v17, v16;
	_ =	sdelay $0x1  }
0x134: {  	v17 =	vmul.f32 v18, v19;
	_ =	sdelay $0x1  }
0x135: {  	v16 =	vadd.f32 v17, v16;
	_ =	sdelay $0x1  }
0x136: {  	[tilespmem:$0x8870] =	vst v16  }
0x137: {  	v16 =	vld [tilespmem:s22+$0x0]  }
0x138: {  	v17 =	vld [tilespmem:s22+$0x10]  }
0x139: {  	v18 =	vld [tilespmem:s21+$0x10]  }
0x13a: {  	v19 =	vld [tilespmem:s21+$0x0];
	_ =	sdelay $0x3  }
0x13b: {  	v17 =	vmul.f32 v17, v18  }
0x13c: {  	v16 =	vmul.f32 v16, v19;
	_ =	sdelay $0x1  }
0x13d: {  	v16 =	vadd.f32 v17, v16;
	_ =	sdelay $0x1  }
0x13e: {  	[tilespmem:$0x8880] =	vst v16  }
0x13f: {  	v16 =	vld [tilespmem:s22+$0x20]  }
0x140: {  	v17 =	vld [tilespmem:s22+$0x30]  }
0x141: {  	v18 =	vld [tilespmem:s21+$0x30]  }
0x142: {  	v19 =	vld [tilespmem:s21+$0x20];
	_ =	sdelay $0x3  }
0x143: {  	v17 =	vmul.f32 v17, v18  }
0x144: {  	v16 =	vmul.f32 v16, v19;
	_ =	sdelay $0x1  }
0x145: {  	v16 =	vadd.f32 v17, v16;
	_ =	sdelay $0x1  }
0x146: {  	[tilespmem:$0x8890] =	vst v16  }
0x147: {  	v16 =	vld [tilespmem:s22+$0x40]  }
0x148: {  	v17 =	vld [tilespmem:s21+$0x40]  }
0x149: {  	v18 =	vld [tilespmem:s21+$0x50]  }
0x14a: {  	v19 =	vld [tilespmem:s22+$0x50];
	_ =	sdelay $0x2  }
0x14b: {  	v16 =	vmul.f32 v16, v17;
	_ =	sdelay $0x1  }
0x14c: {  	v17 =	vmul.f32 v19, v18;
	_ =	sdelay $0x1  }
0x14d: {  	v16 =	vadd.f32 v17, v16;
	_ =	sdelay $0x1  }
0x14e: {  	[tilespmem:$0x88A0] =	vst v16  }
0x14f: {  	v16 =	vld [tilespmem:s21+$0x70]  }
0x150: {  	v17 =	vld [tilespmem:s22+$0x60]  }
0x151: {  	v18 =	vld [tilespmem:s21+$0x60]  }
0x152: {  	v19 =	vld [tilespmem:s22+$0x70];
	_ =	sdelay $0x3  }
0x153: {  	v17 =	vmul.f32 v17, v18  }
0x154: {  	v16 =	vmul.f32 v19, v16;
	_ =	sdelay $0x1  }
0x155: {  	v16 =	vadd.f32 v16, v17;
	_ =	sdelay $0x1  }
0x156: {  	[tilespmem:$0x88B0] =	vst v16  }
0x157: {  	v16 =	vld [tilespmem:s22+$0x90]  }
0x158: {  	v17 =	vld [tilespmem:s21+$0x80]  }
0x159: {  	v18 =	vld [tilespmem:s22+$0x80]  }
0x15a: {  	v19 =	vld [tilespmem:s21+$0x90];
	_ =	sdelay $0x3  }
0x15b: {  	v17 =	vmul.f32 v18, v17  }
0x15c: {  	v16 =	vmul.f32 v16, v19;
	_ =	sdelay $0x1  }
0x15d: {  	v16 =	vadd.f32 v16, v17;
	_ =	sdelay $0x1  }
0x15e: {  	[tilespmem:$0x88C0] =	vst v16  }
0x15f: {  	v16 =	vld [tilespmem:s22+$0xA0]  }
0x160: {  	v17 =	vld [tilespmem:s22+$0xB0]  }
0x161: {  	v18 =	vld [tilespmem:s21+$0xA0]  }
0x162: {  	v19 =	vld [tilespmem:s21+$0xB0];
	_ =	sdelay $0x3  }
0x163: {  	v16 =	vmul.f32 v16, v18  }
0x164: {  	v17 =	vmul.f32 v17, v19;
	_ =	sdelay $0x1  }
0x165: {  	v16 =	vadd.f32 v17, v16;
	_ =	sdelay $0x1  }
0x166: {  	[tilespmem:$0x88D0] =	vst v16  }
0x167: {  	v16 =	vld [tilespmem:s21+$0xC0]  }
0x168: {  	v17 =	vld [tilespmem:s22+$0xC0]  }
0x169: {  	v18 =	vld [tilespmem:s22+$0xD0]  }
0x16a: {  	v19 =	vld [tilespmem:s21+$0xD0];
	_ =	sdelay $0x2  }
0x16b: {  	v16 =	vmul.f32 v17, v16;
	_ =	sdelay $0x1  }
0x16c: {  	v17 =	vmul.f32 v18, v19;
	_ =	sdelay $0x1  }
0x16d: {  	v16 =	vadd.f32 v17, v16;
	_ =	sdelay $0x1  }
0x16e: {  	[tilespmem:$0x88E0] =	vst v16  }
0x16f: {  	v17 =	vld [tilespmem:s21+$0xE0]  }
0x170: {  	v19 =	vld [tilespmem:s22+$0xE0]  }
.Ltmp0:
0x171: {  	v16 =	vld [tilespmem:s21+$0xF0];
	(pc) =	sbr.rel @p0 .LBB2_2-.Ltmp0, $2  }
0x172: {  	v18 =	vld [tilespmem:s22+$0xF0];
	_ =	sdelay $0x2  }
0x173: {  	v17 =	vmul.f32 v19, v17  }
0x174: {  	_ = 	snop  }
0x175: {  	v16 =	vmul.f32 v18, v16;
	_ =	sdelay $0x1  }
0x176: {  	v16 =	vadd.f32 v16, v17;
	_ =	sdelay $0x1  }
0x177: {  	s21 =	sshra.s32 s24, $0x2;
	[tilespmem:$0x88F0] =	vst v16  }
0x178: {  	v16 =	vld [tilespmem:s21+$0x8400]  }
0x179: {  	v17 =	vld [tilespmem:s21+$0x8600];
	_ =	sdelay $0x1  }
0x17a: {  	v54 =	vld.idx.msk [tilespmem:v0+s17+$0x0], $0xffff;
	_ =	sdelay $0x1  }
0x17b: {  	v19 =	vld.idx.msk [tilespmem:v1+s17+$0x0], $0xffff  }
0x17c: {  	v16 =	vadd.f32 v17, v16  }
0x17d: {  	v17 =	vld.idx.msk [tilespmem:v2+s17+$0x0], $0xffff  }
0x17e: {  	v16 =	vadd.f32 v54, v16  }
0x17f: {  	v55 =	vld.idx.msk [tilespmem:v3+s17+$0x0], $0xffff  }
0x180: {  	v16 =	vadd.f32 v19, v16  }
0x181: {  	v56 =	vld.idx.msk [tilespmem:v4+s17+$0x0], $0xffff  }
0x182: {  	v16 =	vadd.f32 v17, v16  }
0x183: {  	v17 =	vld.idx.msk [tilespmem:v5+s17+$0x0], $0xffff  }
0x184: {  	v16 =	vadd.f32 v55, v16  }
0x185: {  	v57 =	vld.idx.msk [tilespmem:v6+s17+$0x0], $0xffff  }
0x186: {  	v16 =	vadd.f32 v56, v16  }
0x187: {  	v58 =	vld.idx.msk [tilespmem:v7+s17+$0x0], $0xffff  }
0x188: {  	v16 =	vadd.f32 v17, v16  }
0x189: {  	v17 =	vld.idx.msk [tilespmem:v8+s17+$0x0], $0xffff  }
0x18a: {  	v16 =	vadd.f32 v57, v16  }
0x18b: {  	v59 =	vld.idx.msk [tilespmem:v9+s17+$0x0], $0xffff  }
0x18c: {  	v16 =	vadd.f32 v58, v16  }
0x18d: {  	v60 =	vld.idx.msk [tilespmem:v10+s17+$0x0], $0xffff  }
0x18e: {  	v16 =	vadd.f32 v17, v16  }
0x18f: {  	v17 =	vld.idx.msk [tilespmem:v11+s17+$0x0], $0xffff  }
0x190: {  	v16 =	vadd.f32 v59, v16  }
0x191: {  	v61 =	vld.idx.msk [tilespmem:v12+s17+$0x0], $0xffff  }
0x192: {  	v16 =	vadd.f32 v60, v16  }
0x193: {  	v62 =	vld.idx.msk [tilespmem:v13+s17+$0x0], $0xffff  }
0x194: {  	v16 =	vadd.f32 v17, v16  }
0x195: {  	v17 =	vld.idx.msk [tilespmem:v14+s17+$0x0], $0xffff  }
0x196: {  	v16 =	vadd.f32 v61, v16  }
0x197: {  	v63 =	vld.idx.msk [tilespmem:v15+s17+$0x0], $0xffff  }
0x198: {  	v16 =	vadd.f32 v62, v16;
	_ =	sdelay $0x1  }
0x199: {  	v16 =	vadd.f32 v17, v16;
	_ =	sdelay $0x1  }
0x19a: {  	s20 =	sadd.s32 $0x1, s20;
	v16 =	vadd.f32 v63, v16  }
0x19b: {  	p0 =	sne.s32 s20, s10  }
.Ltmp1:
0x19c: {  	[tilespmem:s21+$0x8900] =	vst v16;
	(pc) =	sbr.rel @p0 .LBB2_1-.Ltmp1, $4  }
0x19d: {  	[hbm4b:s9+s1] =	stream.linear.scatter [tilespmem:s18], [sflag:$0x2], $0x200, $0x38;
	[tilespmem:$0x8B00] =	vst v63  }
0x19e: {  	_ =	swait.ge [sflag:s11], $0x200  }
0x19f: {  	[sflag:s11] =	ssyncset.done $0x0  }
0x1a0: {  	[sflag:s11] =	ssyncadd.s32 $0xFFFFFE00  }
0x1a1: {  	_ =	sfence.sel $0x180000  }
0x1a2: {  	[bflag:$0x0] =	sbarrier.arrive $0xFFFF  }
0x1a3: {  	_ =	strace $0x90000047  }
0x1a4: {  	s0 =	stileid.u32;
	[bflag:$0x2] =	sbarrier.arrive $0xFFFF  }
0x1a5: {  	p0 =	sne.s32 s0, $0x0;
	s0 =	rddreg [dreg:$0x3]  }
0x1a6: {  	s0 =	sadd.s32 @!p0 $0x100000, s0  }
0x1a7: {  	[sflag:s0] =	ssyncadd.tile.s32 @!p0 $0x1;
	_ =	shalt  }
.Lfunc_end2:
_tile_overlayer_lowered:
.L_overlay_start_2:
0x1a8: {  	(tag) =	ssettag $0x2  }
0x1a9: {  	s0 =	rddreg [dreg:$0x0];
	s2 =	stileid.u32  }
0x1aa: {  	s1 =	rddreg [dreg:$0x1];
	p0 =	sne.s32 s2, $0x0  }
0x1ab: {  	s3 =	rddreg [dreg:$0x2];
	[bflag:$0x3] =	sbarrier.arrive $0xFFFF;
	s2 =	simm.s32 @!p0 $0x1C02  }
0x1ac: {  	[timem:s3], [sflag:s2] =	dma.local @!p0 [hbm:s0], s1  }
0x1ad: {  	s0 =	simm.s32 @!p0 $0x2  }
0x1ae: {  	_ =	swait.ge @!p0 [sflag:s0], s1  }
0x1af: {  	s1 =	ssub.s32 @!p0 $0x0, s1;
	[sflag:s0] =	ssyncset.done @!p0 $0x0  }
0x1b0: {  	[sflag:s0] =	ssyncadd.s32 @!p0 s1  }
0x1b1: {  	[bflag:$0x3] =	sbarrier.arrive $0xFFFF  }
0x1b2: {  	_ =	shalt  }

</sc_bundles>
